<compile_context>
chip_gen: v7x
topology: tpu7x:2x2x1
jax: 0.10.2.dev20260603
libtpu: 0.0.44.dev20260713+nightly
codegen_flags: <defaults>
</compile_context>

<pallas_src>
import functools

import jax
import jax.numpy as jnp
from jax import lax
from jax.experimental import pallas as pl
from jax.experimental.pallas import tpu as pltpu
from jax.experimental.pallas import tpu_sc as plsc

RADIUS2 = 0.2 * 0.2
K = 32
D = 128
L = 16
NC = 2
NS = 16
NW = NC * NS
R = 2
NBUF = 4
AHEAD = 2


def _bf16_round(v):
    bits = plsc.bitcast(v, jnp.uint32)
    lsb = (bits >> 16) & jnp.uint32(1)
    bits = (bits + jnp.uint32(0x7FFF) + lsb) & jnp.uint32(0xFFFF0000)
    return plsc.bitcast(bits, jnp.float32)


def _sc_ball_query_gather(points_flat, centers_flat, table, B, N, M):
    w_per_b = NW // B
    m_per_w = M // w_per_b
    G = m_per_w // R
    RK = R * K

    mesh = plsc.VectorSubcoreMesh(core_axis_name="c", subcore_axis_name="s",
                                  num_cores=NC, num_subcores=NS)

    @functools.partial(
        pl.kernel,
        out_type=jax.ShapeDtypeStruct((B * M * K, D), jnp.float32),
        mesh=mesh,
        compiler_params=pltpu.CompilerParams(
            needs_layout_passes=False, use_tc_tiling_on_sc=True),
        scratch_types=[
            pltpu.VMEM((3 * N,), jnp.float32),
            pltpu.VMEM((3 * N,), jnp.float32),
            pltpu.VMEM((N,), jnp.float32),
            pltpu.VMEM((3 * M,), jnp.float32),
            pltpu.VMEM((K,), jnp.int32),
            pltpu.VMEM((m_per_w * K,), jnp.int32),
            [pltpu.VMEM((RK, D), jnp.float32) for _ in range(NBUF)],
            [pltpu.SemaphoreType.DMA for _ in range(NBUF)],
            [pltpu.SemaphoreType.DMA for _ in range(NBUF)],
        ],
    )
    def sc_kernel(points_hbm, centers_hbm, table_hbm, out_hbm,
                  pts_v, rnd_v, p2_v, cen_v, slots_v, gidx_v,
                  bufs, gsems, ssems):
        cid = lax.axis_index("c")
        sid = lax.axis_index("s")
        wid = sid * NC + cid
        b = wid // w_per_b
        wslot = wid % w_per_b
        m0 = wslot * m_per_w
        out0 = (b * M + m0) * K
        pltpu.sync_copy(points_hbm.at[pl.ds(b * 3 * N, 3 * N)], pts_v)
        pltpu.sync_copy(centers_hbm.at[pl.ds(b * 3 * M, 3 * M)], cen_v)
        iota16 = lax.iota(jnp.int32, 16)

        def prep(chunk, carry):
            base = chunk * L
            px = pts_v[pl.ds(base, L)]
            py = pts_v[pl.ds(base + N, L)]
            pz = pts_v[pl.ds(base + 2 * N, L)]
            p2_v[pl.ds(base, L)] = px * px + py * py + pz * pz
            rnd_v[pl.ds(base, L)] = _bf16_round(px)
            rnd_v[pl.ds(base + N, L)] = _bf16_round(py)
            rnd_v[pl.ds(base + 2 * N, L)] = _bf16_round(pz)
            return carry

        lax.fori_loop(0, N // L, prep, 0)

        def scan_row(i):
            m = m0 + i
            midx = jnp.full((L,), m, jnp.int32)
            cx = plsc.load_gather(cen_v, [midx])
            cy = plsc.load_gather(cen_v, [midx + M])
            cz = plsc.load_gather(cen_v, [midx + 2 * M])
            c2 = cx * cx + cy * cy + cz * cz
            cxb = _bf16_round(cx)
            cyb = _bf16_round(cy)
            czb = _bf16_round(cz)

            def mask_at(base):
                p2 = p2_v[pl.ds(base, L)]
                cp = (cxb * rnd_v[pl.ds(base, L)]
                      + cyb * rnd_v[pl.ds(base + N, L)]
                      + czb * rnd_v[pl.ds(base + 2 * N, L)])
                d2 = c2 + p2 - 2.0 * cp
                return d2 < RADIUS2

            CPB = 16

            def block(blk, count_v):
                def run(count_v):
                    base0 = blk * (CPB * L)
                    for t in range(CPB):
                        base = base0 + t * L
                        mt = mask_at(base)
                        pct = plsc.all_reduce_population_count(mt)
                        rank = count_v + plsc.cumsum(
                            mt.astype(jnp.int32)) - 1
                        plsc.store_scatter(
                            slots_v, [jnp.clip(rank, 0, K - 1)],
                            base + iota16, mask=mt & (rank < K))
                        count_v = count_v + pct
                    return count_v

                return lax.cond(count_v[0] < K, run, lambda c: c, count_v)

            count_v = lax.fori_loop(0, N // (16 * L), block,
                                    jnp.zeros((L,), jnp.int32))
            cur0 = slots_v[pl.ds(0, L)]
            valid0 = iota16 < count_v
            first_s = jnp.min(jnp.where(valid0, cur0, jnp.int32(N)))
            first = jnp.where(count_v > 0, jnp.zeros((L,), jnp.int32)
                              + first_s, 0)
            for jj in range(K // L):
                valid = (iota16 + jj * L) < count_v
                cur = slots_v[pl.ds(jj * L, L)]
                filled = jnp.where(valid, cur, first)
                gidx_v[pl.ds(i * K + jj * L, L)] = filled + b * N

        def fire_gather(g, jbuf):
            idx = gidx_v.at[pl.ds(g * RK, RK)]
            pltpu.async_copy(table_hbm.at[idx], bufs[jbuf], gsems[jbuf])

        def fire_store(g, jbuf):
            pltpu.async_copy(bufs[jbuf],
                             out_hbm.at[pl.ds(out0 + g * RK, RK)],
                             ssems[jbuf])

        def wait_buf(sem, jbuf):
            pltpu.make_async_copy(out_hbm.at[pl.ds(0, RK)], bufs[jbuf],
                                  sem).wait()

        def scan_all(i, carry):
            scan_row(i)
            return carry

        lax.fori_loop(0, m_per_w, scan_all, 0)

        for g0 in range(AHEAD):
            fire_gather(g0, g0 % NBUF)

        def outer(o, carry):
            for j in range(NBUF):
                g = o * NBUF + j
                nf = g + AHEAD
                jn = (j + AHEAD) % NBUF

                @pl.when(nf < G)
                def _():
                    @pl.when(nf >= NBUF)
                    def _():
                        wait_buf(ssems[jn], jn)

                    fire_gather(nf, jn)

                wait_buf(gsems[j], j)
                fire_store(g, j)
            return carry

        lax.fori_loop(0, G // NBUF, outer, 0)
        for j in range(NBUF):
            wait_buf(ssems[j], j)

    return sc_kernel(points_flat, centers_flat, table)


def _tc_finalize(grouped, centers_coords):
    B, _, M = centers_coords.shape
    C_OUT = 67
    DW = D
    MB = 256
    BK = MB * K
    NBLK = M // MB

    def body(g_ref, cen_ref, out_ref):
        x = g_ref[...]
        xt = x.T.reshape(DW, MB, K)
        xt = jnp.swapaxes(xt, 1, 2)
        cen = cen_ref[0]
        out_ref[0, 0:3] = xt[0:3] - cen[:, None, :]
        out_ref[0, 3:C_OUT] = xt[3:C_OUT]

    return pl.pallas_call(
        body,
        grid=(B, NBLK),
        in_specs=[
            pl.BlockSpec((BK, DW), lambda b, i: (b * NBLK + i, 0)),
            pl.BlockSpec((1, 3, MB), lambda b, i: (b, 0, i)),
        ],
        out_specs=pl.BlockSpec((1, C_OUT, K, MB), lambda b, i: (b, 0, 0, i)),
        out_shape=jax.ShapeDtypeStruct((B, C_OUT, K, M), jnp.float32),
    )(grouped, centers_coords)


def kernel(points_coords, centers_coords, points_features):
    B, _, N = points_coords.shape
    M = centers_coords.shape[-1]
    table = jnp.concatenate([points_coords, points_features], axis=1)
    table = jnp.pad(table, ((0, 0), (0, D - table.shape[1]), (0, 0)))
    table = table.transpose(0, 2, 1).reshape(B * N, D)
    grouped = _sc_ball_query_gather(
        points_coords.reshape(B * 3 * N), centers_coords.reshape(B * 3 * M),
        table, B, N, M)
    out_km = _tc_finalize(grouped, centers_coords)
    return jnp.swapaxes(out_km, 2, 3)

# --- scband reference (transcript-rebuilt; emitter-appended) ---
"""Pipeline reference for scband-ball-query-4148938408190 (READ-ONLY COPY).

The authoritative reference and input builder live on the scoring server;
editing this copy changes nothing except your own understanding.
"""

import jax, jax.numpy as jnp
import numpy as np

RADIUS = 0.2
NUM_NEIGHBORS = 32


def setup_inputs(seed: int = 0) -> dict:
    key = jax.random.key(seed)
    k1, k2, k3 = jax.random.split(key, 3)
    points_coords = jax.random.uniform(k1, (4, 3, 8192), dtype=jnp.float32)
    centers_coords = jax.random.uniform(k2, (4, 3, 2048), dtype=jnp.float32)
    points_features = jax.random.normal(k3, (4, 64, 8192), dtype=jnp.float32)
    return {
        "points_coords": points_coords,
        "centers_coords": centers_coords,
        "points_features": points_features,
    }


def _ball_query(centers_coords, points_coords, radius, k):
    # centers_coords: [B, 3, M], points_coords: [B, 3, N]
    # squared pairwise distances without materializing [B,3,M,N]
    c2 = jnp.sum(centers_coords * centers_coords, axis=1)  # [B, M]
    p2 = jnp.sum(points_coords * points_coords, axis=1)    # [B, N]
    cp = jnp.einsum('bdm,bdn->bmn', centers_coords, points_coords)  # [B, M, N]
    dist2 = c2[:, :, None] + p2[:, None, :] - 2.0 * cp  # [B, M, N]
    N = points_coords.shape[-1]
    arange = jnp.arange(N, dtype=jnp.int32)[None, None, :]
    cand = jnp.where(dist2 < radius * radius, arange, jnp.int32(N))  # invalid -> N
    sorted_idx = jnp.sort(cand, axis=-1)[..., :k]  # [B, M, k] first k in-ball indices
    first = sorted_idx[..., :1]
    # pvcnn CUDA kernel: empty slots filled with first found index; all-empty -> 0
    first = jnp.where(first < N, first, jnp.int32(0))
    idx = jnp.where(sorted_idx < N, sorted_idx, first)
    return idx.astype(jnp.int32)


def _grouping(feats, idx):
    # feats: [B, C, N], idx: [B, M, k] -> [B, C, M, k]
    B, C, N = feats.shape
    _, M, k = idx.shape
    idx_b = jnp.broadcast_to(idx[:, None, :, :], (B, C, M, k)).reshape(B, C, M * k)
    out = jnp.take_along_axis(feats, idx_b, axis=2)
    return out.reshape(B, C, M, k)


def reference(points_coords, centers_coords, points_features):
    idx = _ball_query(centers_coords, points_coords, RADIUS, NUM_NEIGHBORS)
    neighbor_coords = _grouping(points_coords, idx)  # [B, 3, M, k]
    neighbor_coords = neighbor_coords - centers_coords[:, :, :, None]
    neighbor_features = _grouping(points_features, idx)  # [B, C, M, k]
    # include_coordinates=True -> concat along channel dim
    return jnp.concatenate([neighbor_coords, neighbor_features], axis=1)

if __name__ == "__main__":
    import jax
    _d = setup_inputs()
    print(jax.jit(kernel)(*tuple(_d.values())))

</pallas_src>

<mosaic_0001>
#map = affine_map<(d0, d1) -> (0)>
#map1 = affine_map<(d0, d1) -> (0, 0)>
module attributes {stable_mosaic.version = 14 : i64} {
  func.func @sc_kernel(%arg0: i32, %arg1: i32, %arg2: memref<98304xf32, #tpu.memory_space<hbm>>, %arg3: memref<24576xf32, #tpu.memory_space<hbm>>, %arg4: memref<32768x128xf32, #tpu.memory_space<hbm>>, %arg5: memref<262144x128xf32, #tpu.memory_space<hbm>>, %arg6: memref<24576xf32, #tpu.memory_space<vmem>>, %arg7: memref<24576xf32, #tpu.memory_space<vmem>>, %arg8: memref<8192xf32, #tpu.memory_space<vmem>>, %arg9: memref<6144xf32, #tpu.memory_space<vmem>>, %arg10: memref<32xi32, #tpu.memory_space<vmem>>, %arg11: memref<8192xi32, #tpu.memory_space<vmem>>, %arg12: memref<64x128xf32, #tpu.memory_space<vmem>>, %arg13: memref<64x128xf32, #tpu.memory_space<vmem>>, %arg14: memref<64x128xf32, #tpu.memory_space<vmem>>, %arg15: memref<64x128xf32, #tpu.memory_space<vmem>>, %arg16: memref<!tpu.dma_semaphore, #tpu.memory_space<semaphore_mem>>, %arg17: memref<!tpu.dma_semaphore, #tpu.memory_space<semaphore_mem>>, %arg18: memref<!tpu.dma_semaphore, #tpu.memory_space<semaphore_mem>>, %arg19: memref<!tpu.dma_semaphore, #tpu.memory_space<semaphore_mem>>, %arg20: memref<!tpu.dma_semaphore, #tpu.memory_space<semaphore_mem>>, %arg21: memref<!tpu.dma_semaphore, #tpu.memory_space<semaphore_mem>>, %arg22: memref<!tpu.dma_semaphore, #tpu.memory_space<semaphore_mem>>, %arg23: memref<!tpu.dma_semaphore, #tpu.memory_space<semaphore_mem>>) attributes {dimension_semantics = [#tpu.dimension_semantics<core_parallel>, #tpu.dimension_semantics<subcore_parallel>], iteration_bounds = array<i64: 2, 16>, scalar_prefetch = 0 : i64, scratch_operands = 18 : i64, tpu.core_type = #tpu.core_type<sc_vector_subcore>, window_params = [{transform_indices = #map}, {transform_indices = #map}, {transform_indices = #map1}, {transform_indices = #map1}]} {
    %mul3A = arith.constant 2 : i32
    %mul3A_0 = arith.muli %arg1, %mul3A : i32
    %add3A = arith.addi %mul3A_0, %arg0 : i32
    %jit3A = arith.constant 8 : i32
    %div3A = arith.divsi %add3A, %jit3A : i32
    %sign3A = arith.constant 0 : i32
    %sign3A_1 = arith.cmpi sgt, %add3A, %sign3A : i32
    %sign3A_2 = arith.extui %sign3A_1 : i1 to i32
    %sign3A_3 = arith.constant 0 : i32
    %sign3A_4 = arith.cmpi slt, %add3A, %sign3A_3 : i32
    %sign3A_5 = arith.extui %sign3A_4 : i1 to i32
    %sign3A_6 = arith.subi %sign3A_2, %sign3A_5 : i32
    %sign3A_7 = arith.constant 0 : i32
    %sign3A_8 = arith.cmpi sgt, %jit3A, %sign3A_7 : i32
    %sign3A_9 = arith.extui %sign3A_8 : i1 to i32
    %sign3A_10 = arith.constant 0 : i32
    %sign3A_11 = arith.cmpi slt, %jit3A, %sign3A_10 : i32
    %sign3A_12 = arith.extui %sign3A_11 : i1 to i32
    %sign3A_13 = arith.subi %sign3A_9, %sign3A_12 : i32
    %ne3A = arith.cmpi ne, %sign3A_6, %sign3A_13 : i32
    %rem3A = arith.remsi %add3A, %jit3A : i32
    %ne3A_14 = arith.constant 0 : i32
    %ne3A_15 = arith.cmpi ne, %rem3A, %ne3A_14 : i32
    %and3A = arith.andi %ne3A, %ne3A_15 : i1
    %sub3A = arith.constant 1 : i32
    %sub3A_16 = arith.subi %div3A, %sub3A : i32
    %select_n3A = arith.select %and3A, %sub3A_16, %div3A : i32
    %jit3A_17 = arith.constant 8 : i32
    %eq3A = arith.constant 0 : i32
    %eq3A_18 = arith.cmpi eq, %jit3A_17, %eq3A : i32
    %jit3A_19 = arith.constant 1 : i32
    %select_n3A_20 = arith.select %eq3A_18, %jit3A_19, %jit3A_17 : i32
    %rem3A_21 = arith.remsi %add3A, %select_n3A_20 : i32
    %ne3A_22 = arith.constant 0 : i32
    %ne3A_23 = arith.cmpi ne, %rem3A_21, %ne3A_22 : i32
    %lt3A = arith.constant 0 : i32
    %lt3A_24 = arith.cmpi slt, %rem3A_21, %lt3A : i32
    %lt3A_25 = arith.constant 0 : i32
    %lt3A_26 = arith.cmpi slt, %select_n3A_20, %lt3A_25 : i32
    %ne3A_27 = arith.xori %lt3A_24, %lt3A_26 : i1
    %and3A_28 = arith.andi %ne3A_27, %ne3A_23 : i1
    %add3A_29 = arith.addi %rem3A_21, %select_n3A_20 : i32
    %select_n3A_30 = arith.select %and3A_28, %add3A_29, %rem3A_21 : i32
    %mul3A_31 = arith.constant 256 : i32
    %mul3A_32 = arith.muli %select_n3A_30, %mul3A_31 : i32
    %mul3A_33 = arith.constant 2048 : i32
    %mul3A_34 = arith.muli %select_n3A, %mul3A_33 : i32
    %add3A_35 = arith.addi %mul3A_34, %mul3A_32 : i32
    %mul3A_36 = arith.constant 32 : i32
    %mul3A_37 = arith.muli %add3A_35, %mul3A_36 : i32
    %mul3A_38 = arith.constant 3 : i32
    %mul3A_39 = arith.muli %select_n3A, %mul3A_38 : i32
    %mul3A_40 = arith.constant 8192 : i32
    %mul3A_41 = arith.muli %mul3A_39, %mul3A_40 : i32
    "tpu.region"() ({
      %run_scoped3A = tpu.sem_alloc : memref<!tpu.dma_semaphore, #tpu.memory_space<semaphore_mem>>
      %dma_start3A_95 = tpu.memref_slice %arg2[%mul3A_41] : memref<98304xf32, #tpu.memory_space<hbm>> -> memref<24576xf32, #tpu.memory_space<hbm>>
      %dma_start3A_96 = tpu.memref_slice %arg2[%mul3A_41] : memref<98304xf32, #tpu.memory_space<hbm>> -> memref<24576xf32, #tpu.memory_space<hbm>>
      tpu.enqueue_dma source(%dma_start3A_96 : memref<24576xf32, #tpu.memory_space<hbm>>) target(%arg6 : memref<24576xf32, #tpu.memory_space<vmem>>) target_semaphore(%run_scoped3A : memref<!tpu.dma_semaphore, #tpu.memory_space<semaphore_mem>>)
      %dma_wait3A_97 = tpu.memref_slice %arg2[%mul3A_41] : memref<98304xf32, #tpu.memory_space<hbm>> -> memref<24576xf32, #tpu.memory_space<hbm>>
      %dma_wait3A_98 = tpu.memref_slice %arg2[%mul3A_41] : memref<98304xf32, #tpu.memory_space<hbm>> -> memref<24576xf32, #tpu.memory_space<hbm>>
      tpu.wait_dma2 semaphore(%run_scoped3A : memref<!tpu.dma_semaphore, #tpu.memory_space<semaphore_mem>>) src(%dma_wait3A_98 : memref<24576xf32, #tpu.memory_space<hbm>>) dst(%arg6 : memref<24576xf32, #tpu.memory_space<vmem>>)
      tpu.yield
    }) : () -> ()
    %mul3A_42 = arith.constant 3 : i32
    %mul3A_43 = arith.muli %select_n3A, %mul3A_42 : i32
    %mul3A_44 = arith.constant 2048 : i32
    %mul3A_45 = arith.muli %mul3A_43, %mul3A_44 : i32
    "tpu.region"() ({
      %run_scoped3A = tpu.sem_alloc : memref<!tpu.dma_semaphore, #tpu.memory_space<semaphore_mem>>
      %dma_start3A_95 = tpu.memref_slice %arg3[%mul3A_45] : memref<24576xf32, #tpu.memory_space<hbm>> -> memref<6144xf32, #tpu.memory_space<hbm>>
      %dma_start3A_96 = tpu.memref_slice %arg3[%mul3A_45] : memref<24576xf32, #tpu.memory_space<hbm>> -> memref<6144xf32, #tpu.memory_space<hbm>>
      tpu.enqueue_dma source(%dma_start3A_96 : memref<6144xf32, #tpu.memory_space<hbm>>) target(%arg9 : memref<6144xf32, #tpu.memory_space<vmem>>) target_semaphore(%run_scoped3A : memref<!tpu.dma_semaphore, #tpu.memory_space<semaphore_mem>>)
      %dma_wait3A_97 = tpu.memref_slice %arg3[%mul3A_45] : memref<24576xf32, #tpu.memory_space<hbm>> -> memref<6144xf32, #tpu.memory_space<hbm>>
      %dma_wait3A_98 = tpu.memref_slice %arg3[%mul3A_45] : memref<24576xf32, #tpu.memory_space<hbm>> -> memref<6144xf32, #tpu.memory_space<hbm>>
      tpu.wait_dma2 semaphore(%run_scoped3A : memref<!tpu.dma_semaphore, #tpu.memory_space<semaphore_mem>>) src(%dma_wait3A_98 : memref<6144xf32, #tpu.memory_space<hbm>>) dst(%arg9 : memref<6144xf32, #tpu.memory_space<vmem>>)
      tpu.yield
    }) : () -> ()
    %iota3A = tpu.iota {dimensions = array<i32: 0>} : vector<16xi32>
    %scan3A = arith.constant 0 : i32
    %scan3A_46 = arith.constant 0 : i32
    %scan3A_47 = arith.constant 512 : i32
    %scan3A_48 = arith.addi %scan3A_46, %scan3A_47 : i32
    %scan3A_49 = arith.constant 1 : i32
    scf.for %scan3A_95 = %scan3A_46 to %scan3A_48 step %scan3A_49  : i32 {
      %mul3A_96 = arith.constant 16 : i32
      %mul3A_97 = arith.muli %scan3A_95, %mul3A_96 : i32
      %get3A = arith.index_cast %mul3A_97 : i32 to index
      %get3A_98 = tpu.vector_load %arg6[%get3A] {strides = array<i32>} : memref<24576xf32, #tpu.memory_space<vmem>>, vector<16xf32>,
      %add3A_99 = arith.constant 8192 : i32
      %add3A_100 = arith.addi %mul3A_97, %add3A_99 : i32
      %get3A_101 = arith.index_cast %add3A_100 : i32 to index
      %get3A_102 = tpu.vector_load %arg6[%get3A_101] {strides = array<i32>} : memref<24576xf32, #tpu.memory_space<vmem>>, vector<16xf32>,
      %add3A_103 = arith.constant 16384 : i32
      %add3A_104 = arith.addi %mul3A_97, %add3A_103 : i32
      %get3A_105 = arith.index_cast %add3A_104 : i32 to index
      %get3A_106 = tpu.vector_load %arg6[%get3A_105] {strides = array<i32>} : memref<24576xf32, #tpu.memory_space<vmem>>, vector<16xf32>,
      %mul3A_107 = arith.mulf %get3A_98, %get3A_98 : vector<16xf32>
      %mul3A_108 = arith.mulf %get3A_102, %get3A_102 : vector<16xf32>
      %add3A_109 = arith.addf %mul3A_107, %mul3A_108 : vector<16xf32>
      %mul3A_110 = arith.mulf %get3A_106, %get3A_106 : vector<16xf32>
      %add3A_111 = arith.addf %add3A_109, %mul3A_110 : vector<16xf32>
      %swap3A = arith.index_cast %mul3A_97 : i32 to index
      %swap3A_112 = tpu.vector_load %arg8[%swap3A] {strides = array<i32>} : memref<8192xf32, #tpu.memory_space<vmem>>, vector<16xf32>,
      tpu.vector_store %arg8[%swap3A], %add3A_111 {strides = array<i32>} : memref<8192xf32, #tpu.memory_space<vmem>>, vector<16xf32>,
      %bitcast3A = vector.bitcast %get3A_98 : vector<16xf32> to vector<16xi32>
      %shift_right_logical3A = arith.constant 16 : i32
      %shift_right_logical3A_113 = vector.broadcast %shift_right_logical3A : i32 to vector<16xi32>
      %shift_right_logical3A_114 = arith.shrui %bitcast3A, %shift_right_logical3A_113 : vector<16xi32>
      %and3A_115 = arith.constant 1 : i32
      %and3A_116 = vector.broadcast %and3A_115 : i32 to vector<16xi32>
      %and3A_117 = arith.andi %shift_right_logical3A_114, %and3A_116 : vector<16xi32>
      %add3A_118 = arith.constant 32767 : i32
      %add3A_119 = vector.broadcast %add3A_118 : i32 to vector<16xi32>
      %add3A_120 = arith.addi %bitcast3A, %add3A_119 : vector<16xi32>
      %add3A_121 = arith.addi %add3A_120, %and3A_117 : vector<16xi32>
      %and3A_122 = arith.constant -65536 : i32
      %and3A_123 = vector.broadcast %and3A_122 : i32 to vector<16xi32>
      %and3A_124 = arith.andi %add3A_121, %and3A_123 : vector<16xi32>
      %bitcast3A_125 = vector.bitcast %and3A_124 : vector<16xi32> to vector<16xf32>
      %swap3A_126 = arith.index_cast %mul3A_97 : i32 to index
      %swap3A_127 = tpu.vector_load %arg7[%swap3A_126] {strides = array<i32>} : memref<24576xf32, #tpu.memory_space<vmem>>, vector<16xf32>,
      tpu.vector_store %arg7[%swap3A_126], %bitcast3A_125 {strides = array<i32>} : memref<24576xf32, #tpu.memory_space<vmem>>, vector<16xf32>,
      %bitcast3A_128 = vector.bitcast %get3A_102 : vector<16xf32> to vector<16xi32>
      %shift_right_logical3A_129 = arith.constant 16 : i32
      %shift_right_logical3A_130 = vector.broadcast %shift_right_logical3A_129 : i32 to vector<16xi32>
      %shift_right_logical3A_131 = arith.shrui %bitcast3A_128, %shift_right_logical3A_130 : vector<16xi32>
      %and3A_132 = arith.constant 1 : i32
      %and3A_133 = vector.broadcast %and3A_132 : i32 to vector<16xi32>
      %and3A_134 = arith.andi %shift_right_logical3A_131, %and3A_133 : vector<16xi32>
      %add3A_135 = arith.constant 32767 : i32
      %add3A_136 = vector.broadcast %add3A_135 : i32 to vector<16xi32>
      %add3A_137 = arith.addi %bitcast3A_128, %add3A_136 : vector<16xi32>
      %add3A_138 = arith.addi %add3A_137, %and3A_134 : vector<16xi32>
      %and3A_139 = arith.constant -65536 : i32
      %and3A_140 = vector.broadcast %and3A_139 : i32 to vector<16xi32>
      %and3A_141 = arith.andi %add3A_138, %and3A_140 : vector<16xi32>
      %bitcast3A_142 = vector.bitcast %and3A_141 : vector<16xi32> to vector<16xf32>
      %add3A_143 = arith.constant 8192 : i32
      %add3A_144 = arith.addi %mul3A_97, %add3A_143 : i32
      %swap3A_145 = arith.index_cast %add3A_144 : i32 to index
      %swap3A_146 = tpu.vector_load %arg7[%swap3A_145] {strides = array<i32>} : memref<24576xf32, #tpu.memory_space<vmem>>, vector<16xf32>,
      tpu.vector_store %arg7[%swap3A_145], %bitcast3A_142 {strides = array<i32>} : memref<24576xf32, #tpu.memory_space<vmem>>, vector<16xf32>,
      %bitcast3A_147 = vector.bitcast %get3A_106 : vector<16xf32> to vector<16xi32>
      %shift_right_logical3A_148 = arith.constant 16 : i32
      %shift_right_logical3A_149 = vector.broadcast %shift_right_logical3A_148 : i32 to vector<16xi32>
      %shift_right_logical3A_150 = arith.shrui %bitcast3A_147, %shift_right_logical3A_149 : vector<16xi32>
      %and3A_151 = arith.constant 1 : i32
      %and3A_152 = vector.broadcast %and3A_151 : i32 to vector<16xi32>
      %and3A_153 = arith.andi %shift_right_logical3A_150, %and3A_152 : vector<16xi32>
      %add3A_154 = arith.constant 32767 : i32
      %add3A_155 = vector.broadcast %add3A_154 : i32 to vector<16xi32>
      %add3A_156 = arith.addi %bitcast3A_147, %add3A_155 : vector<16xi32>
      %add3A_157 = arith.addi %add3A_156, %and3A_153 : vector<16xi32>
      %and3A_158 = arith.constant -65536 : i32
      %and3A_159 = vector.broadcast %and3A_158 : i32 to vector<16xi32>
      %and3A_160 = arith.andi %add3A_157, %and3A_159 : vector<16xi32>
      %bitcast3A_161 = vector.bitcast %and3A_160 : vector<16xi32> to vector<16xf32>
      %add3A_162 = arith.constant 16384 : i32
      %add3A_163 = arith.addi %mul3A_97, %add3A_162 : i32
      %swap3A_164 = arith.index_cast %add3A_163 : i32 to index
      %swap3A_165 = tpu.vector_load %arg7[%swap3A_164] {strides = array<i32>} : memref<24576xf32, #tpu.memory_space<vmem>>, vector<16xf32>,
      tpu.vector_store %arg7[%swap3A_164], %bitcast3A_161 {strides = array<i32>} : memref<24576xf32, #tpu.memory_space<vmem>>, vector<16xf32>,
    }
    %scan3A_50 = arith.constant 512 : i32
    %scan3A_51 = arith.constant 0 : i32
    %scan3A_52 = arith.constant 0 : i32
    %scan3A_53 = arith.constant 256 : i32
    %scan3A_54 = arith.addi %scan3A_52, %scan3A_53 : i32
    %scan3A_55 = arith.constant 1 : i32
    scf.for %scan3A_95 = %scan3A_52 to %scan3A_54 step %scan3A_55  : i32 {
      %add3A_96 = arith.addi %mul3A_32, %scan3A_95 : i32
      %broadcast_in_dim3A = vector.broadcast %add3A_96 : i32 to vector<16xi32>
      %gather3A = tpu.vector_load_idx %arg9[%broadcast_in_dim3A] : memref<6144xf32, #tpu.memory_space<vmem>>[vector<16xi32>], vector<16xf32>,
      %add3A_97 = arith.constant 2048 : i32
      %add3A_98 = vector.broadcast %add3A_97 : i32 to vector<16xi32>
      %add3A_99 = arith.addi %broadcast_in_dim3A, %add3A_98 : vector<16xi32>
      %gather3A_100 = tpu.vector_load_idx %arg9[%add3A_99] : memref<6144xf32, #tpu.memory_space<vmem>>[vector<16xi32>], vector<16xf32>,
      %add3A_101 = arith.constant 4096 : i32
      %add3A_102 = vector.broadcast %add3A_101 : i32 to vector<16xi32>
      %add3A_103 = arith.addi %broadcast_in_dim3A, %add3A_102 : vector<16xi32>
      %gather3A_104 = tpu.vector_load_idx %arg9[%add3A_103] : memref<6144xf32, #tpu.memory_space<vmem>>[vector<16xi32>], vector<16xf32>,
      %mul3A_105 = arith.mulf %gather3A, %gather3A : vector<16xf32>
      %mul3A_106 = arith.mulf %gather3A_100, %gather3A_100 : vector<16xf32>
      %add3A_107 = arith.addf %mul3A_105, %mul3A_106 : vector<16xf32>
      %mul3A_108 = arith.mulf %gather3A_104, %gather3A_104 : vector<16xf32>
      %add3A_109 = arith.addf %add3A_107, %mul3A_108 : vector<16xf32>
      %bitcast3A = vector.bitcast %gather3A : vector<16xf32> to vector<16xi32>
      %shift_right_logical3A = arith.constant 16 : i32
      %shift_right_logical3A_110 = vector.broadcast %shift_right_logical3A : i32 to vector<16xi32>
      %shift_right_logical3A_111 = arith.shrui %bitcast3A, %shift_right_logical3A_110 : vector<16xi32>
      %and3A_112 = arith.constant 1 : i32
      %and3A_113 = vector.broadcast %and3A_112 : i32 to vector<16xi32>
      %and3A_114 = arith.andi %shift_right_logical3A_111, %and3A_113 : vector<16xi32>
      %add3A_115 = arith.constant 32767 : i32
      %add3A_116 = vector.broadcast %add3A_115 : i32 to vector<16xi32>
      %add3A_117 = arith.addi %bitcast3A, %add3A_116 : vector<16xi32>
      %add3A_118 = arith.addi %add3A_117, %and3A_114 : vector<16xi32>
      %and3A_119 = arith.constant -65536 : i32
      %and3A_120 = vector.broadcast %and3A_119 : i32 to vector<16xi32>
      %and3A_121 = arith.andi %add3A_118, %and3A_120 : vector<16xi32>
      %bitcast3A_122 = vector.bitcast %and3A_121 : vector<16xi32> to vector<16xf32>
      %bitcast3A_123 = vector.bitcast %gather3A_100 : vector<16xf32> to vector<16xi32>
      %shift_right_logical3A_124 = arith.constant 16 : i32
      %shift_right_logical3A_125 = vector.broadcast %shift_right_logical3A_124 : i32 to vector<16xi32>
      %shift_right_logical3A_126 = arith.shrui %bitcast3A_123, %shift_right_logical3A_125 : vector<16xi32>
      %and3A_127 = arith.constant 1 : i32
      %and3A_128 = vector.broadcast %and3A_127 : i32 to vector<16xi32>
      %and3A_129 = arith.andi %shift_right_logical3A_126, %and3A_128 : vector<16xi32>
      %add3A_130 = arith.constant 32767 : i32
      %add3A_131 = vector.broadcast %add3A_130 : i32 to vector<16xi32>
      %add3A_132 = arith.addi %bitcast3A_123, %add3A_131 : vector<16xi32>
      %add3A_133 = arith.addi %add3A_132, %and3A_129 : vector<16xi32>
      %and3A_134 = arith.constant -65536 : i32
      %and3A_135 = vector.broadcast %and3A_134 : i32 to vector<16xi32>
      %and3A_136 = arith.andi %add3A_133, %and3A_135 : vector<16xi32>
      %bitcast3A_137 = vector.bitcast %and3A_136 : vector<16xi32> to vector<16xf32>
      %bitcast3A_138 = vector.bitcast %gather3A_104 : vector<16xf32> to vector<16xi32>
      %shift_right_logical3A_139 = arith.constant 16 : i32
      %shift_right_logical3A_140 = vector.broadcast %shift_right_logical3A_139 : i32 to vector<16xi32>
      %shift_right_logical3A_141 = arith.shrui %bitcast3A_138, %shift_right_logical3A_140 : vector<16xi32>
      %and3A_142 = arith.constant 1 : i32
      %and3A_143 = vector.broadcast %and3A_142 : i32 to vector<16xi32>
      %and3A_144 = arith.andi %shift_right_logical3A_141, %and3A_143 : vector<16xi32>
      %add3A_145 = arith.constant 32767 : i32
      %add3A_146 = vector.broadcast %add3A_145 : i32 to vector<16xi32>
      %add3A_147 = arith.addi %bitcast3A_138, %add3A_146 : vector<16xi32>
      %add3A_148 = arith.addi %add3A_147, %and3A_144 : vector<16xi32>
      %and3A_149 = arith.constant -65536 : i32
      %and3A_150 = vector.broadcast %and3A_149 : i32 to vector<16xi32>
      %and3A_151 = arith.andi %add3A_148, %and3A_150 : vector<16xi32>
      %bitcast3A_152 = vector.bitcast %and3A_151 : vector<16xi32> to vector<16xf32>
      %broadcast_in_dim3A_153 = arith.constant 0 : i32
      %broadcast_in_dim3A_154 = vector.broadcast %broadcast_in_dim3A_153 : i32 to vector<16xi32>
      %scan3A_155 = arith.constant 0 : i32
      %scan3A_156 = arith.constant 32 : i32
      %scan3A_157 = arith.addi %scan3A_155, %scan3A_156 : i32
      %scan3A_158 = arith.constant 1 : i32
      %scan3A_159 = scf.for %scan3A_215 = %scan3A_155 to %scan3A_157 step %scan3A_158 iter_args(%scan3A_216 = %broadcast_in_dim3A_154) -> (vector<16xi32>)  : i32 {
        %slice3A = vector.extract_strided_slice %scan3A_216 {offsets = [0], sizes = [1], strides = [1]} : vector<16xi32> to vector<1xi32>
        %squeeze3A = vector.extract %slice3A[0] : i32 from vector<1xi32>
        %lt3A_217 = arith.constant 32 : i32
        %lt3A_218 = arith.cmpi slt, %squeeze3A, %lt3A_217 : i32
        %convert_element_type3A = arith.extui %lt3A_218 : i1 to i32
        %cond3A = arith.constant 0 : i32
        %cond3A_219 = arith.cmpi ne, %convert_element_type3A, %cond3A : i32
        %cond3A_220 = scf.if %cond3A_219 -> (vector<16xi32>) {
          %mul3A_221 = arith.constant 256 : i32
          %mul3A_222 = arith.muli %scan3A_215, %mul3A_221 : i32
          %add3A_223 = arith.constant 0 : i32
          %add3A_224 = arith.addi %mul3A_222, %add3A_223 : i32
          %get3A_225 = arith.index_cast %add3A_224 : i32 to index
          %get3A_226 = tpu.vector_load %arg8[%get3A_225] {strides = array<i32>} : memref<8192xf32, #tpu.memory_space<vmem>>, vector<16xf32>,
          %get3A_227 = arith.index_cast %add3A_224 : i32 to index
          %get3A_228 = tpu.vector_load %arg7[%get3A_227] {strides = array<i32>} : memref<24576xf32, #tpu.memory_space<vmem>>, vector<16xf32>,
          %mul3A_229 = arith.mulf %bitcast3A_122, %get3A_228 : vector<16xf32>
          %add3A_230 = arith.constant 8192 : i32
          %add3A_231 = arith.addi %add3A_224, %add3A_230 : i32
          %get3A_232 = arith.index_cast %add3A_231 : i32 to index
          %get3A_233 = tpu.vector_load %arg7[%get3A_232] {strides = array<i32>} : memref<24576xf32, #tpu.memory_space<vmem>>, vector<16xf32>,
          %mul3A_234 = arith.mulf %bitcast3A_137, %get3A_233 : vector<16xf32>
          %add3A_235 = arith.addf %mul3A_229, %mul3A_234 : vector<16xf32>
          %add3A_236 = arith.constant 16384 : i32
          %add3A_237 = arith.addi %add3A_224, %add3A_236 : i32
          %get3A_238 = arith.index_cast %add3A_237 : i32 to index
          %get3A_239 = tpu.vector_load %arg7[%get3A_238] {strides = array<i32>} : memref<24576xf32, #tpu.memory_space<vmem>>, vector<16xf32>,
          %mul3A_240 = arith.mulf %bitcast3A_152, %get3A_239 : vector<16xf32>
          %add3A_241 = arith.addf %add3A_235, %mul3A_240 : vector<16xf32>
          %add3A_242 = arith.addf %add3A_109, %get3A_226 : vector<16xf32>
          %mul3A_243 = arith.constant 2.000000e+00 : f32
          %mul3A_244 = vector.broadcast %mul3A_243 : f32 to vector<16xf32>
          %mul3A_245 = arith.mulf %mul3A_244, %add3A_241 : vector<16xf32>
          %sub3A_246 = arith.subf %add3A_242, %mul3A_245 : vector<16xf32>
          %lt3A_247 = arith.constant 4.000000e-02 : f32
          %lt3A_248 = vector.broadcast %lt3A_247 : f32 to vector<16xf32>
          %lt3A_249 = arith.cmpf olt, %sub3A_246, %lt3A_248 : vector<16xf32>
          %all_reduce_population_count3A = tpu.all_reduce %lt3A_249 {dim = 0 : i64, kind = #tpu.reduction_kind<sum>} : vector<16xi1> -> vector<16xi32>
          %convert_element_type3A_250 = arith.extui %lt3A_249 : vector<16xi1> to vector<16xi32>
          %broadcast_in_dim3A_251 = arith.constant true
          %broadcast_in_dim3A_252 = vector.broadcast %broadcast_in_dim3A_251 : i1 to vector<16xi1>
          %masked_cumsum3A = tpu.scan <sum>, %convert_element_type3A_250 masked %broadcast_in_dim3A_252 : vector<16xi32>, vector<16xi1> -> vector<16xi32>
          %add3A_253 = arith.addi %scan3A_216, %masked_cumsum3A : vector<16xi32>
          %sub3A_254 = arith.constant 1 : i32
          %sub3A_255 = vector.broadcast %sub3A_254 : i32 to vector<16xi32>
          %sub3A_256 = arith.subi %add3A_253, %sub3A_255 : vector<16xi32>
          %jit3A_257 = arith.constant 0 : i32
          %jit3A_258 = arith.constant 31 : i32
          %max3A = vector.broadcast %jit3A_257 : i32 to vector<16xi32>
          %max3A_259 = arith.maxsi %max3A, %sub3A_256 : vector<16xi32>
          %min3A = vector.broadcast %jit3A_258 : i32 to vector<16xi32>
          %min3A_260 = arith.minsi %min3A, %max3A_259 : vector<16xi32>
          %add3A_261 = vector.broadcast %add3A_224 : i32 to vector<16xi32>
          %add3A_262 = arith.addi %add3A_261, %iota3A : vector<16xi32>
          %lt3A_263 = arith.constant 32 : i32
          %lt3A_264 = vector.broadcast %lt3A_263 : i32 to vector<16xi32>
          %lt3A_265 = arith.cmpi slt, %sub3A_256, %lt3A_264 : vector<16xi32>
          %and3A_266 = arith.andi %lt3A_249, %lt3A_265 : vector<16xi1>
          tpu.vector_store_idx %arg10[%min3A_260], %add3A_262 masked %and3A_266 : memref<32xi32, #tpu.memory_space<vmem>>[vector<16xi32>], vector<16xi32>, vector<16xi1>
          %add3A_267 = arith.addi %scan3A_216, %all_reduce_population_count3A : vector<16xi32>
          %add3A_268 = arith.constant 16 : i32
          %add3A_269 = arith.addi %mul3A_222, %add3A_268 : i32
          %get3A_270 = arith.index_cast %add3A_269 : i32 to index
          %get3A_271 = tpu.vector_load %arg8[%get3A_270] {strides = array<i32>} : memref<8192xf32, #tpu.memory_space<vmem>>, vector<16xf32>,
          %get3A_272 = arith.index_cast %add3A_269 : i32 to index
          %get3A_273 = tpu.vector_load %arg7[%get3A_272] {strides = array<i32>} : memref<24576xf32, #tpu.memory_space<vmem>>, vector<16xf32>,
          %mul3A_274 = arith.mulf %bitcast3A_122, %get3A_273 : vector<16xf32>
          %add3A_275 = arith.constant 8192 : i32
          %add3A_276 = arith.addi %add3A_269, %add3A_275 : i32
          %get3A_277 = arith.index_cast %add3A_276 : i32 to index
          %get3A_278 = tpu.vector_load %arg7[%get3A_277] {strides = array<i32>} : memref<24576xf32, #tpu.memory_space<vmem>>, vector<16xf32>,
          %mul3A_279 = arith.mulf %bitcast3A_137, %get3A_278 : vector<16xf32>
          %add3A_280 = arith.addf %mul3A_274, %mul3A_279 : vector<16xf32>
          %add3A_281 = arith.constant 16384 : i32
          %add3A_282 = arith.addi %add3A_269, %add3A_281 : i32
          %get3A_283 = arith.index_cast %add3A_282 : i32 to index
          %get3A_284 = tpu.vector_load %arg7[%get3A_283] {strides = array<i32>} : memref<24576xf32, #tpu.memory_space<vmem>>, vector<16xf32>,
          %mul3A_285 = arith.mulf %bitcast3A_152, %get3A_284 : vector<16xf32>
          %add3A_286 = arith.addf %add3A_280, %mul3A_285 : vector<16xf32>
          %add3A_287 = arith.addf %add3A_109, %get3A_271 : vector<16xf32>
          %mul3A_288 = arith.constant 2.000000e+00 : f32
          %mul3A_289 = vector.broadcast %mul3A_288 : f32 to vector<16xf32>
          %mul3A_290 = arith.mulf %mul3A_289, %add3A_286 : vector<16xf32>
          %sub3A_291 = arith.subf %add3A_287, %mul3A_290 : vector<16xf32>
          %lt3A_292 = arith.constant 4.000000e-02 : f32
          %lt3A_293 = vector.broadcast %lt3A_292 : f32 to vector<16xf32>
          %lt3A_294 = arith.cmpf olt, %sub3A_291, %lt3A_293 : vector<16xf32>
          %all_reduce_population_count3A_295 = tpu.all_reduce %lt3A_294 {dim = 0 : i64, kind = #tpu.reduction_kind<sum>} : vector<16xi1> -> vector<16xi32>
          %convert_element_type3A_296 = arith.extui %lt3A_294 : vector<16xi1> to vector<16xi32>
          %broadcast_in_dim3A_297 = arith.constant true
          %broadcast_in_dim3A_298 = vector.broadcast %broadcast_in_dim3A_297 : i1 to vector<16xi1>
          %masked_cumsum3A_299 = tpu.scan <sum>, %convert_element_type3A_296 masked %broadcast_in_dim3A_298 : vector<16xi32>, vector<16xi1> -> vector<16xi32>
          %add3A_300 = arith.addi %add3A_267, %masked_cumsum3A_299 : vector<16xi32>
          %sub3A_301 = arith.constant 1 : i32
          %sub3A_302 = vector.broadcast %sub3A_301 : i32 to vector<16xi32>
          %sub3A_303 = arith.subi %add3A_300, %sub3A_302 : vector<16xi32>
          %jit3A_304 = arith.constant 0 : i32
          %jit3A_305 = arith.constant 31 : i32
          %max3A_306 = vector.broadcast %jit3A_304 : i32 to vector<16xi32>
          %max3A_307 = arith.maxsi %max3A_306, %sub3A_303 : vector<16xi32>
          %min3A_308 = vector.broadcast %jit3A_305 : i32 to vector<16xi32>
          %min3A_309 = arith.minsi %min3A_308, %max3A_307 : vector<16xi32>
          %add3A_310 = vector.broadcast %add3A_269 : i32 to vector<16xi32>
          %add3A_311 = arith.addi %add3A_310, %iota3A : vector<16xi32>
          %lt3A_312 = arith.constant 32 : i32
          %lt3A_313 = vector.broadcast %lt3A_312 : i32 to vector<16xi32>
          %lt3A_314 = arith.cmpi slt, %sub3A_303, %lt3A_313 : vector<16xi32>
          %and3A_315 = arith.andi %lt3A_294, %lt3A_314 : vector<16xi1>
          tpu.vector_store_idx %arg10[%min3A_309], %add3A_311 masked %and3A_315 : memref<32xi32, #tpu.memory_space<vmem>>[vector<16xi32>], vector<16xi32>, vector<16xi1>
          %add3A_316 = arith.addi %add3A_267, %all_reduce_population_count3A_295 : vector<16xi32>
          %add3A_317 = arith.constant 32 : i32
          %add3A_318 = arith.addi %mul3A_222, %add3A_317 : i32
          %get3A_319 = arith.index_cast %add3A_318 : i32 to index
          %get3A_320 = tpu.vector_load %arg8[%get3A_319] {strides = array<i32>} : memref<8192xf32, #tpu.memory_space<vmem>>, vector<16xf32>,
          %get3A_321 = arith.index_cast %add3A_318 : i32 to index
          %get3A_322 = tpu.vector_load %arg7[%get3A_321] {strides = array<i32>} : memref<24576xf32, #tpu.memory_space<vmem>>, vector<16xf32>,
          %mul3A_323 = arith.mulf %bitcast3A_122, %get3A_322 : vector<16xf32>
          %add3A_324 = arith.constant 8192 : i32
          %add3A_325 = arith.addi %add3A_318, %add3A_324 : i32
          %get3A_326 = arith.index_cast %add3A_325 : i32 to index
          %get3A_327 = tpu.vector_load %arg7[%get3A_326] {strides = array<i32>} : memref<24576xf32, #tpu.memory_space<vmem>>, vector<16xf32>,
          %mul3A_328 = arith.mulf %bitcast3A_137, %get3A_327 : vector<16xf32>
          %add3A_329 = arith.addf %mul3A_323, %mul3A_328 : vector<16xf32>
          %add3A_330 = arith.constant 16384 : i32
          %add3A_331 = arith.addi %add3A_318, %add3A_330 : i32
          %get3A_332 = arith.index_cast %add3A_331 : i32 to index
          %get3A_333 = tpu.vector_load %arg7[%get3A_332] {strides = array<i32>} : memref<24576xf32, #tpu.memory_space<vmem>>, vector<16xf32>,
          %mul3A_334 = arith.mulf %bitcast3A_152, %get3A_333 : vector<16xf32>
          %add3A_335 = arith.addf %add3A_329, %mul3A_334 : vector<16xf32>
          %add3A_336 = arith.addf %add3A_109, %get3A_320 : vector<16xf32>
          %mul3A_337 = arith.constant 2.000000e+00 : f32
          %mul3A_338 = vector.broadcast %mul3A_337 : f32 to vector<16xf32>
          %mul3A_339 = arith.mulf %mul3A_338, %add3A_335 : vector<16xf32>
          %sub3A_340 = arith.subf %add3A_336, %mul3A_339 : vector<16xf32>
          %lt3A_341 = arith.constant 4.000000e-02 : f32
          %lt3A_342 = vector.broadcast %lt3A_341 : f32 to vector<16xf32>
          %lt3A_343 = arith.cmpf olt, %sub3A_340, %lt3A_342 : vector<16xf32>
          %all_reduce_population_count3A_344 = tpu.all_reduce %lt3A_343 {dim = 0 : i64, kind = #tpu.reduction_kind<sum>} : vector<16xi1> -> vector<16xi32>
          %convert_element_type3A_345 = arith.extui %lt3A_343 : vector<16xi1> to vector<16xi32>
          %broadcast_in_dim3A_346 = arith.constant true
          %broadcast_in_dim3A_347 = vector.broadcast %broadcast_in_dim3A_346 : i1 to vector<16xi1>
          %masked_cumsum3A_348 = tpu.scan <sum>, %convert_element_type3A_345 masked %broadcast_in_dim3A_347 : vector<16xi32>, vector<16xi1> -> vector<16xi32>
          %add3A_349 = arith.addi %add3A_316, %masked_cumsum3A_348 : vector<16xi32>
          %sub3A_350 = arith.constant 1 : i32
          %sub3A_351 = vector.broadcast %sub3A_350 : i32 to vector<16xi32>
          %sub3A_352 = arith.subi %add3A_349, %sub3A_351 : vector<16xi32>
          %jit3A_353 = arith.constant 0 : i32
          %jit3A_354 = arith.constant 31 : i32
          %max3A_355 = vector.broadcast %jit3A_353 : i32 to vector<16xi32>
          %max3A_356 = arith.maxsi %max3A_355, %sub3A_352 : vector<16xi32>
          %min3A_357 = vector.broadcast %jit3A_354 : i32 to vector<16xi32>
          %min3A_358 = arith.minsi %min3A_357, %max3A_356 : vector<16xi32>
          %add3A_359 = vector.broadcast %add3A_318 : i32 to vector<16xi32>
          %add3A_360 = arith.addi %add3A_359, %iota3A : vector<16xi32>
          %lt3A_361 = arith.constant 32 : i32
          %lt3A_362 = vector.broadcast %lt3A_361 : i32 to vector<16xi32>
          %lt3A_363 = arith.cmpi slt, %sub3A_352, %lt3A_362 : vector<16xi32>
          %and3A_364 = arith.andi %lt3A_343, %lt3A_363 : vector<16xi1>
          tpu.vector_store_idx %arg10[%min3A_358], %add3A_360 masked %and3A_364 : memref<32xi32, #tpu.memory_space<vmem>>[vector<16xi32>], vector<16xi32>, vector<16xi1>
          %add3A_365 = arith.addi %add3A_316, %all_reduce_population_count3A_344 : vector<16xi32>
          %add3A_366 = arith.constant 48 : i32
          %add3A_367 = arith.addi %mul3A_222, %add3A_366 : i32
          %get3A_368 = arith.index_cast %add3A_367 : i32 to index
          %get3A_369 = tpu.vector_load %arg8[%get3A_368] {strides = array<i32>} : memref<8192xf32, #tpu.memory_space<vmem>>, vector<16xf32>,
          %get3A_370 = arith.index_cast %add3A_367 : i32 to index
          %get3A_371 = tpu.vector_load %arg7[%get3A_370] {strides = array<i32>} : memref<24576xf32, #tpu.memory_space<vmem>>, vector<16xf32>,
          %mul3A_372 = arith.mulf %bitcast3A_122, %get3A_371 : vector<16xf32>
          %add3A_373 = arith.constant 8192 : i32
          %add3A_374 = arith.addi %add3A_367, %add3A_373 : i32
          %get3A_375 = arith.index_cast %add3A_374 : i32 to index
          %get3A_376 = tpu.vector_load %arg7[%get3A_375] {strides = array<i32>} : memref<24576xf32, #tpu.memory_space<vmem>>, vector<16xf32>,
          %mul3A_377 = arith.mulf %bitcast3A_137, %get3A_376 : vector<16xf32>
          %add3A_378 = arith.addf %mul3A_372, %mul3A_377 : vector<16xf32>
          %add3A_379 = arith.constant 16384 : i32
          %add3A_380 = arith.addi %add3A_367, %add3A_379 : i32
          %get3A_381 = arith.index_cast %add3A_380 : i32 to index
          %get3A_382 = tpu.vector_load %arg7[%get3A_381] {strides = array<i32>} : memref<24576xf32, #tpu.memory_space<vmem>>, vector<16xf32>,
          %mul3A_383 = arith.mulf %bitcast3A_152, %get3A_382 : vector<16xf32>
          %add3A_384 = arith.addf %add3A_378, %mul3A_383 : vector<16xf32>
          %add3A_385 = arith.addf %add3A_109, %get3A_369 : vector<16xf32>
          %mul3A_386 = arith.constant 2.000000e+00 : f32
          %mul3A_387 = vector.broadcast %mul3A_386 : f32 to vector<16xf32>
          %mul3A_388 = arith.mulf %mul3A_387, %add3A_384 : vector<16xf32>
          %sub3A_389 = arith.subf %add3A_385, %mul3A_388 : vector<16xf32>
          %lt3A_390 = arith.constant 4.000000e-02 : f32
          %lt3A_391 = vector.broadcast %lt3A_390 : f32 to vector<16xf32>
          %lt3A_392 = arith.cmpf olt, %sub3A_389, %lt3A_391 : vector<16xf32>
          %all_reduce_population_count3A_393 = tpu.all_reduce %lt3A_392 {dim = 0 : i64, kind = #tpu.reduction_kind<sum>} : vector<16xi1> -> vector<16xi32>
          %convert_element_type3A_394 = arith.extui %lt3A_392 : vector<16xi1> to vector<16xi32>
          %broadcast_in_dim3A_395 = arith.constant true
          %broadcast_in_dim3A_396 = vector.broadcast %broadcast_in_dim3A_395 : i1 to vector<16xi1>
          %masked_cumsum3A_397 = tpu.scan <sum>, %convert_element_type3A_394 masked %broadcast_in_dim3A_396 : vector<16xi32>, vector<16xi1> -> vector<16xi32>
          %add3A_398 = arith.addi %add3A_365, %masked_cumsum3A_397 : vector<16xi32>
          %sub3A_399 = arith.constant 1 : i32
          %sub3A_400 = vector.broadcast %sub3A_399 : i32 to vector<16xi32>
          %sub3A_401 = arith.subi %add3A_398, %sub3A_400 : vector<16xi32>
          %jit3A_402 = arith.constant 0 : i32
          %jit3A_403 = arith.constant 31 : i32
          %max3A_404 = vector.broadcast %jit3A_402 : i32 to vector<16xi32>
          %max3A_405 = arith.maxsi %max3A_404, %sub3A_401 : vector<16xi32>
          %min3A_406 = vector.broadcast %jit3A_403 : i32 to vector<16xi32>
          %min3A_407 = arith.minsi %min3A_406, %max3A_405 : vector<16xi32>
          %add3A_408 = vector.broadcast %add3A_367 : i32 to vector<16xi32>
          %add3A_409 = arith.addi %add3A_408, %iota3A : vector<16xi32>
          %lt3A_410 = arith.constant 32 : i32
          %lt3A_411 = vector.broadcast %lt3A_410 : i32 to vector<16xi32>
          %lt3A_412 = arith.cmpi slt, %sub3A_401, %lt3A_411 : vector<16xi32>
          %and3A_413 = arith.andi %lt3A_392, %lt3A_412 : vector<16xi1>
          tpu.vector_store_idx %arg10[%min3A_407], %add3A_409 masked %and3A_413 : memref<32xi32, #tpu.memory_space<vmem>>[vector<16xi32>], vector<16xi32>, vector<16xi1>
          %add3A_414 = arith.addi %add3A_365, %all_reduce_population_count3A_393 : vector<16xi32>
          %add3A_415 = arith.constant 64 : i32
          %add3A_416 = arith.addi %mul3A_222, %add3A_415 : i32
          %get3A_417 = arith.index_cast %add3A_416 : i32 to index
          %get3A_418 = tpu.vector_load %arg8[%get3A_417] {strides = array<i32>} : memref<8192xf32, #tpu.memory_space<vmem>>, vector<16xf32>,
          %get3A_419 = arith.index_cast %add3A_416 : i32 to index
          %get3A_420 = tpu.vector_load %arg7[%get3A_419] {strides = array<i32>} : memref<24576xf32, #tpu.memory_space<vmem>>, vector<16xf32>,
          %mul3A_421 = arith.mulf %bitcast3A_122, %get3A_420 : vector<16xf32>
          %add3A_422 = arith.constant 8192 : i32
          %add3A_423 = arith.addi %add3A_416, %add3A_422 : i32
          %get3A_424 = arith.index_cast %add3A_423 : i32 to index
          %get3A_425 = tpu.vector_load %arg7[%get3A_424] {strides = array<i32>} : memref<24576xf32, #tpu.memory_space<vmem>>, vector<16xf32>,
          %mul3A_426 = arith.mulf %bitcast3A_137, %get3A_425 : vector<16xf32>
          %add3A_427 = arith.addf %mul3A_421, %mul3A_426 : vector<16xf32>
          %add3A_428 = arith.constant 16384 : i32
          %add3A_429 = arith.addi %add3A_416, %add3A_428 : i32
          %get3A_430 = arith.index_cast %add3A_429 : i32 to index
          %get3A_431 = tpu.vector_load %arg7[%get3A_430] {strides = array<i32>} : memref<24576xf32, #tpu.memory_space<vmem>>, vector<16xf32>,
          %mul3A_432 = arith.mulf %bitcast3A_152, %get3A_431 : vector<16xf32>
          %add3A_433 = arith.addf %add3A_427, %mul3A_432 : vector<16xf32>
          %add3A_434 = arith.addf %add3A_109, %get3A_418 : vector<16xf32>
          %mul3A_435 = arith.constant 2.000000e+00 : f32
          %mul3A_436 = vector.broadcast %mul3A_435 : f32 to vector<16xf32>
          %mul3A_437 = arith.mulf %mul3A_436, %add3A_433 : vector<16xf32>
          %sub3A_438 = arith.subf %add3A_434, %mul3A_437 : vector<16xf32>
          %lt3A_439 = arith.constant 4.000000e-02 : f32
          %lt3A_440 = vector.broadcast %lt3A_439 : f32 to vector<16xf32>
          %lt3A_441 = arith.cmpf olt, %sub3A_438, %lt3A_440 : vector<16xf32>
          %all_reduce_population_count3A_442 = tpu.all_reduce %lt3A_441 {dim = 0 : i64, kind = #tpu.reduction_kind<sum>} : vector<16xi1> -> vector<16xi32>
          %convert_element_type3A_443 = arith.extui %lt3A_441 : vector<16xi1> to vector<16xi32>
          %broadcast_in_dim3A_444 = arith.constant true
          %broadcast_in_dim3A_445 = vector.broadcast %broadcast_in_dim3A_444 : i1 to vector<16xi1>
          %masked_cumsum3A_446 = tpu.scan <sum>, %convert_element_type3A_443 masked %broadcast_in_dim3A_445 : vector<16xi32>, vector<16xi1> -> vector<16xi32>
          %add3A_447 = arith.addi %add3A_414, %masked_cumsum3A_446 : vector<16xi32>
          %sub3A_448 = arith.constant 1 : i32
          %sub3A_449 = vector.broadcast %sub3A_448 : i32 to vector<16xi32>
          %sub3A_450 = arith.subi %add3A_447, %sub3A_449 : vector<16xi32>
          %jit3A_451 = arith.constant 0 : i32
          %jit3A_452 = arith.constant 31 : i32
          %max3A_453 = vector.broadcast %jit3A_451 : i32 to vector<16xi32>
          %max3A_454 = arith.maxsi %max3A_453, %sub3A_450 : vector<16xi32>
          %min3A_455 = vector.broadcast %jit3A_452 : i32 to vector<16xi32>
          %min3A_456 = arith.minsi %min3A_455, %max3A_454 : vector<16xi32>
          %add3A_457 = vector.broadcast %add3A_416 : i32 to vector<16xi32>
          %add3A_458 = arith.addi %add3A_457, %iota3A : vector<16xi32>
          %lt3A_459 = arith.constant 32 : i32
          %lt3A_460 = vector.broadcast %lt3A_459 : i32 to vector<16xi32>
          %lt3A_461 = arith.cmpi slt, %sub3A_450, %lt3A_460 : vector<16xi32>
          %and3A_462 = arith.andi %lt3A_441, %lt3A_461 : vector<16xi1>
          tpu.vector_store_idx %arg10[%min3A_456], %add3A_458 masked %and3A_462 : memref<32xi32, #tpu.memory_space<vmem>>[vector<16xi32>], vector<16xi32>, vector<16xi1>
          %add3A_463 = arith.addi %add3A_414, %all_reduce_population_count3A_442 : vector<16xi32>
          %add3A_464 = arith.constant 80 : i32
          %add3A_465 = arith.addi %mul3A_222, %add3A_464 : i32
          %get3A_466 = arith.index_cast %add3A_465 : i32 to index
          %get3A_467 = tpu.vector_load %arg8[%get3A_466] {strides = array<i32>} : memref<8192xf32, #tpu.memory_space<vmem>>, vector<16xf32>,
          %get3A_468 = arith.index_cast %add3A_465 : i32 to index
          %get3A_469 = tpu.vector_load %arg7[%get3A_468] {strides = array<i32>} : memref<24576xf32, #tpu.memory_space<vmem>>, vector<16xf32>,
          %mul3A_470 = arith.mulf %bitcast3A_122, %get3A_469 : vector<16xf32>
          %add3A_471 = arith.constant 8192 : i32
          %add3A_472 = arith.addi %add3A_465, %add3A_471 : i32
          %get3A_473 = arith.index_cast %add3A_472 : i32 to index
          %get3A_474 = tpu.vector_load %arg7[%get3A_473] {strides = array<i32>} : memref<24576xf32, #tpu.memory_space<vmem>>, vector<16xf32>,
          %mul3A_475 = arith.mulf %bitcast3A_137, %get3A_474 : vector<16xf32>
          %add3A_476 = arith.addf %mul3A_470, %mul3A_475 : vector<16xf32>
          %add3A_477 = arith.constant 16384 : i32
          %add3A_478 = arith.addi %add3A_465, %add3A_477 : i32
          %get3A_479 = arith.index_cast %add3A_478 : i32 to index
          %get3A_480 = tpu.vector_load %arg7[%get3A_479] {strides = array<i32>} : memref<24576xf32, #tpu.memory_space<vmem>>, vector<16xf32>,
          %mul3A_481 = arith.mulf %bitcast3A_152, %get3A_480 : vector<16xf32>
          %add3A_482 = arith.addf %add3A_476, %mul3A_481 : vector<16xf32>
          %add3A_483 = arith.addf %add3A_109, %get3A_467 : vector<16xf32>
          %mul3A_484 = arith.constant 2.000000e+00 : f32
          %mul3A_485 = vector.broadcast %mul3A_484 : f32 to vector<16xf32>
          %mul3A_486 = arith.mulf %mul3A_485, %add3A_482 : vector<16xf32>
          %sub3A_487 = arith.subf %add3A_483, %mul3A_486 : vector<16xf32>
          %lt3A_488 = arith.constant 4.000000e-02 : f32
          %lt3A_489 = vector.broadcast %lt3A_488 : f32 to vector<16xf32>
          %lt3A_490 = arith.cmpf olt, %sub3A_487, %lt3A_489 : vector<16xf32>
          %all_reduce_population_count3A_491 = tpu.all_reduce %lt3A_490 {dim = 0 : i64, kind = #tpu.reduction_kind<sum>} : vector<16xi1> -> vector<16xi32>
          %convert_element_type3A_492 = arith.extui %lt3A_490 : vector<16xi1> to vector<16xi32>
          %broadcast_in_dim3A_493 = arith.constant true
          %broadcast_in_dim3A_494 = vector.broadcast %broadcast_in_dim3A_493 : i1 to vector<16xi1>
          %masked_cumsum3A_495 = tpu.scan <sum>, %convert_element_type3A_492 masked %broadcast_in_dim3A_494 : vector<16xi32>, vector<16xi1> -> vector<16xi32>
          %add3A_496 = arith.addi %add3A_463, %masked_cumsum3A_495 : vector<16xi32>
          %sub3A_497 = arith.constant 1 : i32
          %sub3A_498 = vector.broadcast %sub3A_497 : i32 to vector<16xi32>
          %sub3A_499 = arith.subi %add3A_496, %sub3A_498 : vector<16xi32>
          %jit3A_500 = arith.constant 0 : i32
          %jit3A_501 = arith.constant 31 : i32
          %max3A_502 = vector.broadcast %jit3A_500 : i32 to vector<16xi32>
          %max3A_503 = arith.maxsi %max3A_502, %sub3A_499 : vector<16xi32>
          %min3A_504 = vector.broadcast %jit3A_501 : i32 to vector<16xi32>
          %min3A_505 = arith.minsi %min3A_504, %max3A_503 : vector<16xi32>
          %add3A_506 = vector.broadcast %add3A_465 : i32 to vector<16xi32>
          %add3A_507 = arith.addi %add3A_506, %iota3A : vector<16xi32>
          %lt3A_508 = arith.constant 32 : i32
          %lt3A_509 = vector.broadcast %lt3A_508 : i32 to vector<16xi32>
          %lt3A_510 = arith.cmpi slt, %sub3A_499, %lt3A_509 : vector<16xi32>
          %and3A_511 = arith.andi %lt3A_490, %lt3A_510 : vector<16xi1>
          tpu.vector_store_idx %arg10[%min3A_505], %add3A_507 masked %and3A_511 : memref<32xi32, #tpu.memory_space<vmem>>[vector<16xi32>], vector<16xi32>, vector<16xi1>
          %add3A_512 = arith.addi %add3A_463, %all_reduce_population_count3A_491 : vector<16xi32>
          %add3A_513 = arith.constant 96 : i32
          %add3A_514 = arith.addi %mul3A_222, %add3A_513 : i32
          %get3A_515 = arith.index_cast %add3A_514 : i32 to index
          %get3A_516 = tpu.vector_load %arg8[%get3A_515] {strides = array<i32>} : memref<8192xf32, #tpu.memory_space<vmem>>, vector<16xf32>,
          %get3A_517 = arith.index_cast %add3A_514 : i32 to index
          %get3A_518 = tpu.vector_load %arg7[%get3A_517] {strides = array<i32>} : memref<24576xf32, #tpu.memory_space<vmem>>, vector<16xf32>,
          %mul3A_519 = arith.mulf %bitcast3A_122, %get3A_518 : vector<16xf32>
          %add3A_520 = arith.constant 8192 : i32
          %add3A_521 = arith.addi %add3A_514, %add3A_520 : i32
          %get3A_522 = arith.index_cast %add3A_521 : i32 to index
          %get3A_523 = tpu.vector_load %arg7[%get3A_522] {strides = array<i32>} : memref<24576xf32, #tpu.memory_space<vmem>>, vector<16xf32>,
          %mul3A_524 = arith.mulf %bitcast3A_137, %get3A_523 : vector<16xf32>
          %add3A_525 = arith.addf %mul3A_519, %mul3A_524 : vector<16xf32>
          %add3A_526 = arith.constant 16384 : i32
          %add3A_527 = arith.addi %add3A_514, %add3A_526 : i32
          %get3A_528 = arith.index_cast %add3A_527 : i32 to index
          %get3A_529 = tpu.vector_load %arg7[%get3A_528] {strides = array<i32>} : memref<24576xf32, #tpu.memory_space<vmem>>, vector<16xf32>,
          %mul3A_530 = arith.mulf %bitcast3A_152, %get3A_529 : vector<16xf32>
          %add3A_531 = arith.addf %add3A_525, %mul3A_530 : vector<16xf32>
          %add3A_532 = arith.addf %add3A_109, %get3A_516 : vector<16xf32>
          %mul3A_533 = arith.constant 2.000000e+00 : f32
          %mul3A_534 = vector.broadcast %mul3A_533 : f32 to vector<16xf32>
          %mul3A_535 = arith.mulf %mul3A_534, %add3A_531 : vector<16xf32>
          %sub3A_536 = arith.subf %add3A_532, %mul3A_535 : vector<16xf32>
          %lt3A_537 = arith.constant 4.000000e-02 : f32
          %lt3A_538 = vector.broadcast %lt3A_537 : f32 to vector<16xf32>
          %lt3A_539 = arith.cmpf olt, %sub3A_536, %lt3A_538 : vector<16xf32>
          %all_reduce_population_count3A_540 = tpu.all_reduce %lt3A_539 {dim = 0 : i64, kind = #tpu.reduction_kind<sum>} : vector<16xi1> -> vector<16xi32>
          %convert_element_type3A_541 = arith.extui %lt3A_539 : vector<16xi1> to vector<16xi32>
          %broadcast_in_dim3A_542 = arith.constant true
          %broadcast_in_dim3A_543 = vector.broadcast %broadcast_in_dim3A_542 : i1 to vector<16xi1>
          %masked_cumsum3A_544 = tpu.scan <sum>, %convert_element_type3A_541 masked %broadcast_in_dim3A_543 : vector<16xi32>, vector<16xi1> -> vector<16xi32>
          %add3A_545 = arith.addi %add3A_512, %masked_cumsum3A_544 : vector<16xi32>
          %sub3A_546 = arith.constant 1 : i32
          %sub3A_547 = vector.broadcast %sub3A_546 : i32 to vector<16xi32>
          %sub3A_548 = arith.subi %add3A_545, %sub3A_547 : vector<16xi32>
          %jit3A_549 = arith.constant 0 : i32
          %jit3A_550 = arith.constant 31 : i32
          %max3A_551 = vector.broadcast %jit3A_549 : i32 to vector<16xi32>
          %max3A_552 = arith.maxsi %max3A_551, %sub3A_548 : vector<16xi32>
          %min3A_553 = vector.broadcast %jit3A_550 : i32 to vector<16xi32>
          %min3A_554 = arith.minsi %min3A_553, %max3A_552 : vector<16xi32>
          %add3A_555 = vector.broadcast %add3A_514 : i32 to vector<16xi32>
          %add3A_556 = arith.addi %add3A_555, %iota3A : vector<16xi32>
          %lt3A_557 = arith.constant 32 : i32
          %lt3A_558 = vector.broadcast %lt3A_557 : i32 to vector<16xi32>
          %lt3A_559 = arith.cmpi slt, %sub3A_548, %lt3A_558 : vector<16xi32>
          %and3A_560 = arith.andi %lt3A_539, %lt3A_559 : vector<16xi1>
          tpu.vector_store_idx %arg10[%min3A_554], %add3A_556 masked %and3A_560 : memref<32xi32, #tpu.memory_space<vmem>>[vector<16xi32>], vector<16xi32>, vector<16xi1>
          %add3A_561 = arith.addi %add3A_512, %all_reduce_population_count3A_540 : vector<16xi32>
          %add3A_562 = arith.constant 112 : i32
          %add3A_563 = arith.addi %mul3A_222, %add3A_562 : i32
          %get3A_564 = arith.index_cast %add3A_563 : i32 to index
          %get3A_565 = tpu.vector_load %arg8[%get3A_564] {strides = array<i32>} : memref<8192xf32, #tpu.memory_space<vmem>>, vector<16xf32>,
          %get3A_566 = arith.index_cast %add3A_563 : i32 to index
          %get3A_567 = tpu.vector_load %arg7[%get3A_566] {strides = array<i32>} : memref<24576xf32, #tpu.memory_space<vmem>>, vector<16xf32>,
          %mul3A_568 = arith.mulf %bitcast3A_122, %get3A_567 : vector<16xf32>
          %add3A_569 = arith.constant 8192 : i32
          %add3A_570 = arith.addi %add3A_563, %add3A_569 : i32
          %get3A_571 = arith.index_cast %add3A_570 : i32 to index
          %get3A_572 = tpu.vector_load %arg7[%get3A_571] {strides = array<i32>} : memref<24576xf32, #tpu.memory_space<vmem>>, vector<16xf32>,
          %mul3A_573 = arith.mulf %bitcast3A_137, %get3A_572 : vector<16xf32>
          %add3A_574 = arith.addf %mul3A_568, %mul3A_573 : vector<16xf32>
          %add3A_575 = arith.constant 16384 : i32
          %add3A_576 = arith.addi %add3A_563, %add3A_575 : i32
          %get3A_577 = arith.index_cast %add3A_576 : i32 to index
          %get3A_578 = tpu.vector_load %arg7[%get3A_577] {strides = array<i32>} : memref<24576xf32, #tpu.memory_space<vmem>>, vector<16xf32>,
          %mul3A_579 = arith.mulf %bitcast3A_152, %get3A_578 : vector<16xf32>
          %add3A_580 = arith.addf %add3A_574, %mul3A_579 : vector<16xf32>
          %add3A_581 = arith.addf %add3A_109, %get3A_565 : vector<16xf32>
          %mul3A_582 = arith.constant 2.000000e+00 : f32
          %mul3A_583 = vector.broadcast %mul3A_582 : f32 to vector<16xf32>
          %mul3A_584 = arith.mulf %mul3A_583, %add3A_580 : vector<16xf32>
          %sub3A_585 = arith.subf %add3A_581, %mul3A_584 : vector<16xf32>
          %lt3A_586 = arith.constant 4.000000e-02 : f32
          %lt3A_587 = vector.broadcast %lt3A_586 : f32 to vector<16xf32>
          %lt3A_588 = arith.cmpf olt, %sub3A_585, %lt3A_587 : vector<16xf32>
          %all_reduce_population_count3A_589 = tpu.all_reduce %lt3A_588 {dim = 0 : i64, kind = #tpu.reduction_kind<sum>} : vector<16xi1> -> vector<16xi32>
          %convert_element_type3A_590 = arith.extui %lt3A_588 : vector<16xi1> to vector<16xi32>
          %broadcast_in_dim3A_591 = arith.constant true
          %broadcast_in_dim3A_592 = vector.broadcast %broadcast_in_dim3A_591 : i1 to vector<16xi1>
          %masked_cumsum3A_593 = tpu.scan <sum>, %convert_element_type3A_590 masked %broadcast_in_dim3A_592 : vector<16xi32>, vector<16xi1> -> vector<16xi32>
          %add3A_594 = arith.addi %add3A_561, %masked_cumsum3A_593 : vector<16xi32>
          %sub3A_595 = arith.constant 1 : i32
          %sub3A_596 = vector.broadcast %sub3A_595 : i32 to vector<16xi32>
          %sub3A_597 = arith.subi %add3A_594, %sub3A_596 : vector<16xi32>
          %jit3A_598 = arith.constant 0 : i32
          %jit3A_599 = arith.constant 31 : i32
          %max3A_600 = vector.broadcast %jit3A_598 : i32 to vector<16xi32>
          %max3A_601 = arith.maxsi %max3A_600, %sub3A_597 : vector<16xi32>
          %min3A_602 = vector.broadcast %jit3A_599 : i32 to vector<16xi32>
          %min3A_603 = arith.minsi %min3A_602, %max3A_601 : vector<16xi32>
          %add3A_604 = vector.broadcast %add3A_563 : i32 to vector<16xi32>
          %add3A_605 = arith.addi %add3A_604, %iota3A : vector<16xi32>
          %lt3A_606 = arith.constant 32 : i32
          %lt3A_607 = vector.broadcast %lt3A_606 : i32 to vector<16xi32>
          %lt3A_608 = arith.cmpi slt, %sub3A_597, %lt3A_607 : vector<16xi32>
          %and3A_609 = arith.andi %lt3A_588, %lt3A_608 : vector<16xi1>
          tpu.vector_store_idx %arg10[%min3A_603], %add3A_605 masked %and3A_609 : memref<32xi32, #tpu.memory_space<vmem>>[vector<16xi32>], vector<16xi32>, vector<16xi1>
          %add3A_610 = arith.addi %add3A_561, %all_reduce_population_count3A_589 : vector<16xi32>
          %add3A_611 = arith.constant 128 : i32
          %add3A_612 = arith.addi %mul3A_222, %add3A_611 : i32
          %get3A_613 = arith.index_cast %add3A_612 : i32 to index
          %get3A_614 = tpu.vector_load %arg8[%get3A_613] {strides = array<i32>} : memref<8192xf32, #tpu.memory_space<vmem>>, vector<16xf32>,
          %get3A_615 = arith.index_cast %add3A_612 : i32 to index
          %get3A_616 = tpu.vector_load %arg7[%get3A_615] {strides = array<i32>} : memref<24576xf32, #tpu.memory_space<vmem>>, vector<16xf32>,
          %mul3A_617 = arith.mulf %bitcast3A_122, %get3A_616 : vector<16xf32>
          %add3A_618 = arith.constant 8192 : i32
          %add3A_619 = arith.addi %add3A_612, %add3A_618 : i32
          %get3A_620 = arith.index_cast %add3A_619 : i32 to index
          %get3A_621 = tpu.vector_load %arg7[%get3A_620] {strides = array<i32>} : memref<24576xf32, #tpu.memory_space<vmem>>, vector<16xf32>,
          %mul3A_622 = arith.mulf %bitcast3A_137, %get3A_621 : vector<16xf32>
          %add3A_623 = arith.addf %mul3A_617, %mul3A_622 : vector<16xf32>
          %add3A_624 = arith.constant 16384 : i32
          %add3A_625 = arith.addi %add3A_612, %add3A_624 : i32
          %get3A_626 = arith.index_cast %add3A_625 : i32 to index
          %get3A_627 = tpu.vector_load %arg7[%get3A_626] {strides = array<i32>} : memref<24576xf32, #tpu.memory_space<vmem>>, vector<16xf32>,
          %mul3A_628 = arith.mulf %bitcast3A_152, %get3A_627 : vector<16xf32>
          %add3A_629 = arith.addf %add3A_623, %mul3A_628 : vector<16xf32>
          %add3A_630 = arith.addf %add3A_109, %get3A_614 : vector<16xf32>
          %mul3A_631 = arith.constant 2.000000e+00 : f32
          %mul3A_632 = vector.broadcast %mul3A_631 : f32 to vector<16xf32>
          %mul3A_633 = arith.mulf %mul3A_632, %add3A_629 : vector<16xf32>
          %sub3A_634 = arith.subf %add3A_630, %mul3A_633 : vector<16xf32>
          %lt3A_635 = arith.constant 4.000000e-02 : f32
          %lt3A_636 = vector.broadcast %lt3A_635 : f32 to vector<16xf32>
          %lt3A_637 = arith.cmpf olt, %sub3A_634, %lt3A_636 : vector<16xf32>
          %all_reduce_population_count3A_638 = tpu.all_reduce %lt3A_637 {dim = 0 : i64, kind = #tpu.reduction_kind<sum>} : vector<16xi1> -> vector<16xi32>
          %convert_element_type3A_639 = arith.extui %lt3A_637 : vector<16xi1> to vector<16xi32>
          %broadcast_in_dim3A_640 = arith.constant true
          %broadcast_in_dim3A_641 = vector.broadcast %broadcast_in_dim3A_640 : i1 to vector<16xi1>
          %masked_cumsum3A_642 = tpu.scan <sum>, %convert_element_type3A_639 masked %broadcast_in_dim3A_641 : vector<16xi32>, vector<16xi1> -> vector<16xi32>
          %add3A_643 = arith.addi %add3A_610, %masked_cumsum3A_642 : vector<16xi32>
          %sub3A_644 = arith.constant 1 : i32
          %sub3A_645 = vector.broadcast %sub3A_644 : i32 to vector<16xi32>
          %sub3A_646 = arith.subi %add3A_643, %sub3A_645 : vector<16xi32>
          %jit3A_647 = arith.constant 0 : i32
          %jit3A_648 = arith.constant 31 : i32
          %max3A_649 = vector.broadcast %jit3A_647 : i32 to vector<16xi32>
          %max3A_650 = arith.maxsi %max3A_649, %sub3A_646 : vector<16xi32>
          %min3A_651 = vector.broadcast %jit3A_648 : i32 to vector<16xi32>
          %min3A_652 = arith.minsi %min3A_651, %max3A_650 : vector<16xi32>
          %add3A_653 = vector.broadcast %add3A_612 : i32 to vector<16xi32>
          %add3A_654 = arith.addi %add3A_653, %iota3A : vector<16xi32>
          %lt3A_655 = arith.constant 32 : i32
          %lt3A_656 = vector.broadcast %lt3A_655 : i32 to vector<16xi32>
          %lt3A_657 = arith.cmpi slt, %sub3A_646, %lt3A_656 : vector<16xi32>
          %and3A_658 = arith.andi %lt3A_637, %lt3A_657 : vector<16xi1>
          tpu.vector_store_idx %arg10[%min3A_652], %add3A_654 masked %and3A_658 : memref<32xi32, #tpu.memory_space<vmem>>[vector<16xi32>], vector<16xi32>, vector<16xi1>
          %add3A_659 = arith.addi %add3A_610, %all_reduce_population_count3A_638 : vector<16xi32>
          %add3A_660 = arith.constant 144 : i32
          %add3A_661 = arith.addi %mul3A_222, %add3A_660 : i32
          %get3A_662 = arith.index_cast %add3A_661 : i32 to index
          %get3A_663 = tpu.vector_load %arg8[%get3A_662] {strides = array<i32>} : memref<8192xf32, #tpu.memory_space<vmem>>, vector<16xf32>,
          %get3A_664 = arith.index_cast %add3A_661 : i32 to index
          %get3A_665 = tpu.vector_load %arg7[%get3A_664] {strides = array<i32>} : memref<24576xf32, #tpu.memory_space<vmem>>, vector<16xf32>,
          %mul3A_666 = arith.mulf %bitcast3A_122, %get3A_665 : vector<16xf32>
          %add3A_667 = arith.constant 8192 : i32
          %add3A_668 = arith.addi %add3A_661, %add3A_667 : i32
          %get3A_669 = arith.index_cast %add3A_668 : i32 to index
          %get3A_670 = tpu.vector_load %arg7[%get3A_669] {strides = array<i32>} : memref<24576xf32, #tpu.memory_space<vmem>>, vector<16xf32>,
          %mul3A_671 = arith.mulf %bitcast3A_137, %get3A_670 : vector<16xf32>
          %add3A_672 = arith.addf %mul3A_666, %mul3A_671 : vector<16xf32>
          %add3A_673 = arith.constant 16384 : i32
          %add3A_674 = arith.addi %add3A_661, %add3A_673 : i32
          %get3A_675 = arith.index_cast %add3A_674 : i32 to index
          %get3A_676 = tpu.vector_load %arg7[%get3A_675] {strides = array<i32>} : memref<24576xf32, #tpu.memory_space<vmem>>, vector<16xf32>,
          %mul3A_677 = arith.mulf %bitcast3A_152, %get3A_676 : vector<16xf32>
          %add3A_678 = arith.addf %add3A_672, %mul3A_677 : vector<16xf32>
          %add3A_679 = arith.addf %add3A_109, %get3A_663 : vector<16xf32>
          %mul3A_680 = arith.constant 2.000000e+00 : f32
          %mul3A_681 = vector.broadcast %mul3A_680 : f32 to vector<16xf32>
          %mul3A_682 = arith.mulf %mul3A_681, %add3A_678 : vector<16xf32>
          %sub3A_683 = arith.subf %add3A_679, %mul3A_682 : vector<16xf32>
          %lt3A_684 = arith.constant 4.000000e-02 : f32
          %lt3A_685 = vector.broadcast %lt3A_684 : f32 to vector<16xf32>
          %lt3A_686 = arith.cmpf olt, %sub3A_683, %lt3A_685 : vector<16xf32>
          %all_reduce_population_count3A_687 = tpu.all_reduce %lt3A_686 {dim = 0 : i64, kind = #tpu.reduction_kind<sum>} : vector<16xi1> -> vector<16xi32>
          %convert_element_type3A_688 = arith.extui %lt3A_686 : vector<16xi1> to vector<16xi32>
          %broadcast_in_dim3A_689 = arith.constant true
          %broadcast_in_dim3A_690 = vector.broadcast %broadcast_in_dim3A_689 : i1 to vector<16xi1>
          %masked_cumsum3A_691 = tpu.scan <sum>, %convert_element_type3A_688 masked %broadcast_in_dim3A_690 : vector<16xi32>, vector<16xi1> -> vector<16xi32>
          %add3A_692 = arith.addi %add3A_659, %masked_cumsum3A_691 : vector<16xi32>
          %sub3A_693 = arith.constant 1 : i32
          %sub3A_694 = vector.broadcast %sub3A_693 : i32 to vector<16xi32>
          %sub3A_695 = arith.subi %add3A_692, %sub3A_694 : vector<16xi32>
          %jit3A_696 = arith.constant 0 : i32
          %jit3A_697 = arith.constant 31 : i32
          %max3A_698 = vector.broadcast %jit3A_696 : i32 to vector<16xi32>
          %max3A_699 = arith.maxsi %max3A_698, %sub3A_695 : vector<16xi32>
          %min3A_700 = vector.broadcast %jit3A_697 : i32 to vector<16xi32>
          %min3A_701 = arith.minsi %min3A_700, %max3A_699 : vector<16xi32>
          %add3A_702 = vector.broadcast %add3A_661 : i32 to vector<16xi32>
          %add3A_703 = arith.addi %add3A_702, %iota3A : vector<16xi32>
          %lt3A_704 = arith.constant 32 : i32
          %lt3A_705 = vector.broadcast %lt3A_704 : i32 to vector<16xi32>
          %lt3A_706 = arith.cmpi slt, %sub3A_695, %lt3A_705 : vector<16xi32>
          %and3A_707 = arith.andi %lt3A_686, %lt3A_706 : vector<16xi1>
          tpu.vector_store_idx %arg10[%min3A_701], %add3A_703 masked %and3A_707 : memref<32xi32, #tpu.memory_space<vmem>>[vector<16xi32>], vector<16xi32>, vector<16xi1>
          %add3A_708 = arith.addi %add3A_659, %all_reduce_population_count3A_687 : vector<16xi32>
          %add3A_709 = arith.constant 160 : i32
          %add3A_710 = arith.addi %mul3A_222, %add3A_709 : i32
          %get3A_711 = arith.index_cast %add3A_710 : i32 to index
          %get3A_712 = tpu.vector_load %arg8[%get3A_711] {strides = array<i32>} : memref<8192xf32, #tpu.memory_space<vmem>>, vector<16xf32>,
          %get3A_713 = arith.index_cast %add3A_710 : i32 to index
          %get3A_714 = tpu.vector_load %arg7[%get3A_713] {strides = array<i32>} : memref<24576xf32, #tpu.memory_space<vmem>>, vector<16xf32>,
          %mul3A_715 = arith.mulf %bitcast3A_122, %get3A_714 : vector<16xf32>
          %add3A_716 = arith.constant 8192 : i32
          %add3A_717 = arith.addi %add3A_710, %add3A_716 : i32
          %get3A_718 = arith.index_cast %add3A_717 : i32 to index
          %get3A_719 = tpu.vector_load %arg7[%get3A_718] {strides = array<i32>} : memref<24576xf32, #tpu.memory_space<vmem>>, vector<16xf32>,
          %mul3A_720 = arith.mulf %bitcast3A_137, %get3A_719 : vector<16xf32>
          %add3A_721 = arith.addf %mul3A_715, %mul3A_720 : vector<16xf32>
          %add3A_722 = arith.constant 16384 : i32
          %add3A_723 = arith.addi %add3A_710, %add3A_722 : i32
          %get3A_724 = arith.index_cast %add3A_723 : i32 to index
          %get3A_725 = tpu.vector_load %arg7[%get3A_724] {strides = array<i32>} : memref<24576xf32, #tpu.memory_space<vmem>>, vector<16xf32>,
          %mul3A_726 = arith.mulf %bitcast3A_152, %get3A_725 : vector<16xf32>
          %add3A_727 = arith.addf %add3A_721, %mul3A_726 : vector<16xf32>
          %add3A_728 = arith.addf %add3A_109, %get3A_712 : vector<16xf32>
          %mul3A_729 = arith.constant 2.000000e+00 : f32
          %mul3A_730 = vector.broadcast %mul3A_729 : f32 to vector<16xf32>
          %mul3A_731 = arith.mulf %mul3A_730, %add3A_727 : vector<16xf32>
          %sub3A_732 = arith.subf %add3A_728, %mul3A_731 : vector<16xf32>
          %lt3A_733 = arith.constant 4.000000e-02 : f32
          %lt3A_734 = vector.broadcast %lt3A_733 : f32 to vector<16xf32>
          %lt3A_735 = arith.cmpf olt, %sub3A_732, %lt3A_734 : vector<16xf32>
          %all_reduce_population_count3A_736 = tpu.all_reduce %lt3A_735 {dim = 0 : i64, kind = #tpu.reduction_kind<sum>} : vector<16xi1> -> vector<16xi32>
          %convert_element_type3A_737 = arith.extui %lt3A_735 : vector<16xi1> to vector<16xi32>
          %broadcast_in_dim3A_738 = arith.constant true
          %broadcast_in_dim3A_739 = vector.broadcast %broadcast_in_dim3A_738 : i1 to vector<16xi1>
          %masked_cumsum3A_740 = tpu.scan <sum>, %convert_element_type3A_737 masked %broadcast_in_dim3A_739 : vector<16xi32>, vector<16xi1> -> vector<16xi32>
          %add3A_741 = arith.addi %add3A_708, %masked_cumsum3A_740 : vector<16xi32>
          %sub3A_742 = arith.constant 1 : i32
          %sub3A_743 = vector.broadcast %sub3A_742 : i32 to vector<16xi32>
          %sub3A_744 = arith.subi %add3A_741, %sub3A_743 : vector<16xi32>
          %jit3A_745 = arith.constant 0 : i32
          %jit3A_746 = arith.constant 31 : i32
          %max3A_747 = vector.broadcast %jit3A_745 : i32 to vector<16xi32>
          %max3A_748 = arith.maxsi %max3A_747, %sub3A_744 : vector<16xi32>
          %min3A_749 = vector.broadcast %jit3A_746 : i32 to vector<16xi32>
          %min3A_750 = arith.minsi %min3A_749, %max3A_748 : vector<16xi32>
          %add3A_751 = vector.broadcast %add3A_710 : i32 to vector<16xi32>
          %add3A_752 = arith.addi %add3A_751, %iota3A : vector<16xi32>
          %lt3A_753 = arith.constant 32 : i32
          %lt3A_754 = vector.broadcast %lt3A_753 : i32 to vector<16xi32>
          %lt3A_755 = arith.cmpi slt, %sub3A_744, %lt3A_754 : vector<16xi32>
          %and3A_756 = arith.andi %lt3A_735, %lt3A_755 : vector<16xi1>
          tpu.vector_store_idx %arg10[%min3A_750], %add3A_752 masked %and3A_756 : memref<32xi32, #tpu.memory_space<vmem>>[vector<16xi32>], vector<16xi32>, vector<16xi1>
          %add3A_757 = arith.addi %add3A_708, %all_reduce_population_count3A_736 : vector<16xi32>
          %add3A_758 = arith.constant 176 : i32
          %add3A_759 = arith.addi %mul3A_222, %add3A_758 : i32
          %get3A_760 = arith.index_cast %add3A_759 : i32 to index
          %get3A_761 = tpu.vector_load %arg8[%get3A_760] {strides = array<i32>} : memref<8192xf32, #tpu.memory_space<vmem>>, vector<16xf32>,
          %get3A_762 = arith.index_cast %add3A_759 : i32 to index
          %get3A_763 = tpu.vector_load %arg7[%get3A_762] {strides = array<i32>} : memref<24576xf32, #tpu.memory_space<vmem>>, vector<16xf32>,
          %mul3A_764 = arith.mulf %bitcast3A_122, %get3A_763 : vector<16xf32>
          %add3A_765 = arith.constant 8192 : i32
          %add3A_766 = arith.addi %add3A_759, %add3A_765 : i32
          %get3A_767 = arith.index_cast %add3A_766 : i32 to index
          %get3A_768 = tpu.vector_load %arg7[%get3A_767] {strides = array<i32>} : memref<24576xf32, #tpu.memory_space<vmem>>, vector<16xf32>,
          %mul3A_769 = arith.mulf %bitcast3A_137, %get3A_768 : vector<16xf32>
          %add3A_770 = arith.addf %mul3A_764, %mul3A_769 : vector<16xf32>
          %add3A_771 = arith.constant 16384 : i32
          %add3A_772 = arith.addi %add3A_759, %add3A_771 : i32
          %get3A_773 = arith.index_cast %add3A_772 : i32 to index
          %get3A_774 = tpu.vector_load %arg7[%get3A_773] {strides = array<i32>} : memref<24576xf32, #tpu.memory_space<vmem>>, vector<16xf32>,
          %mul3A_775 = arith.mulf %bitcast3A_152, %get3A_774 : vector<16xf32>
          %add3A_776 = arith.addf %add3A_770, %mul3A_775 : vector<16xf32>
          %add3A_777 = arith.addf %add3A_109, %get3A_761 : vector<16xf32>
          %mul3A_778 = arith.constant 2.000000e+00 : f32
          %mul3A_779 = vector.broadcast %mul3A_778 : f32 to vector<16xf32>
          %mul3A_780 = arith.mulf %mul3A_779, %add3A_776 : vector<16xf32>
          %sub3A_781 = arith.subf %add3A_777, %mul3A_780 : vector<16xf32>
          %lt3A_782 = arith.constant 4.000000e-02 : f32
          %lt3A_783 = vector.broadcast %lt3A_782 : f32 to vector<16xf32>
          %lt3A_784 = arith.cmpf olt, %sub3A_781, %lt3A_783 : vector<16xf32>
          %all_reduce_population_count3A_785 = tpu.all_reduce %lt3A_784 {dim = 0 : i64, kind = #tpu.reduction_kind<sum>} : vector<16xi1> -> vector<16xi32>
          %convert_element_type3A_786 = arith.extui %lt3A_784 : vector<16xi1> to vector<16xi32>
          %broadcast_in_dim3A_787 = arith.constant true
          %broadcast_in_dim3A_788 = vector.broadcast %broadcast_in_dim3A_787 : i1 to vector<16xi1>
          %masked_cumsum3A_789 = tpu.scan <sum>, %convert_element_type3A_786 masked %broadcast_in_dim3A_788 : vector<16xi32>, vector<16xi1> -> vector<16xi32>
          %add3A_790 = arith.addi %add3A_757, %masked_cumsum3A_789 : vector<16xi32>
          %sub3A_791 = arith.constant 1 : i32
          %sub3A_792 = vector.broadcast %sub3A_791 : i32 to vector<16xi32>
          %sub3A_793 = arith.subi %add3A_790, %sub3A_792 : vector<16xi32>
          %jit3A_794 = arith.constant 0 : i32
          %jit3A_795 = arith.constant 31 : i32
          %max3A_796 = vector.broadcast %jit3A_794 : i32 to vector<16xi32>
          %max3A_797 = arith.maxsi %max3A_796, %sub3A_793 : vector<16xi32>
          %min3A_798 = vector.broadcast %jit3A_795 : i32 to vector<16xi32>
          %min3A_799 = arith.minsi %min3A_798, %max3A_797 : vector<16xi32>
          %add3A_800 = vector.broadcast %add3A_759 : i32 to vector<16xi32>
          %add3A_801 = arith.addi %add3A_800, %iota3A : vector<16xi32>
          %lt3A_802 = arith.constant 32 : i32
          %lt3A_803 = vector.broadcast %lt3A_802 : i32 to vector<16xi32>
          %lt3A_804 = arith.cmpi slt, %sub3A_793, %lt3A_803 : vector<16xi32>
          %and3A_805 = arith.andi %lt3A_784, %lt3A_804 : vector<16xi1>
          tpu.vector_store_idx %arg10[%min3A_799], %add3A_801 masked %and3A_805 : memref<32xi32, #tpu.memory_space<vmem>>[vector<16xi32>], vector<16xi32>, vector<16xi1>
          %add3A_806 = arith.addi %add3A_757, %all_reduce_population_count3A_785 : vector<16xi32>
          %add3A_807 = arith.constant 192 : i32
          %add3A_808 = arith.addi %mul3A_222, %add3A_807 : i32
          %get3A_809 = arith.index_cast %add3A_808 : i32 to index
          %get3A_810 = tpu.vector_load %arg8[%get3A_809] {strides = array<i32>} : memref<8192xf32, #tpu.memory_space<vmem>>, vector<16xf32>,
          %get3A_811 = arith.index_cast %add3A_808 : i32 to index
          %get3A_812 = tpu.vector_load %arg7[%get3A_811] {strides = array<i32>} : memref<24576xf32, #tpu.memory_space<vmem>>, vector<16xf32>,
          %mul3A_813 = arith.mulf %bitcast3A_122, %get3A_812 : vector<16xf32>
          %add3A_814 = arith.constant 8192 : i32
          %add3A_815 = arith.addi %add3A_808, %add3A_814 : i32
          %get3A_816 = arith.index_cast %add3A_815 : i32 to index
          %get3A_817 = tpu.vector_load %arg7[%get3A_816] {strides = array<i32>} : memref<24576xf32, #tpu.memory_space<vmem>>, vector<16xf32>,
          %mul3A_818 = arith.mulf %bitcast3A_137, %get3A_817 : vector<16xf32>
          %add3A_819 = arith.addf %mul3A_813, %mul3A_818 : vector<16xf32>
          %add3A_820 = arith.constant 16384 : i32
          %add3A_821 = arith.addi %add3A_808, %add3A_820 : i32
          %get3A_822 = arith.index_cast %add3A_821 : i32 to index
          %get3A_823 = tpu.vector_load %arg7[%get3A_822] {strides = array<i32>} : memref<24576xf32, #tpu.memory_space<vmem>>, vector<16xf32>,
          %mul3A_824 = arith.mulf %bitcast3A_152, %get3A_823 : vector<16xf32>
          %add3A_825 = arith.addf %add3A_819, %mul3A_824 : vector<16xf32>
          %add3A_826 = arith.addf %add3A_109, %get3A_810 : vector<16xf32>
          %mul3A_827 = arith.constant 2.000000e+00 : f32
          %mul3A_828 = vector.broadcast %mul3A_827 : f32 to vector<16xf32>
          %mul3A_829 = arith.mulf %mul3A_828, %add3A_825 : vector<16xf32>
          %sub3A_830 = arith.subf %add3A_826, %mul3A_829 : vector<16xf32>
          %lt3A_831 = arith.constant 4.000000e-02 : f32
          %lt3A_832 = vector.broadcast %lt3A_831 : f32 to vector<16xf32>
          %lt3A_833 = arith.cmpf olt, %sub3A_830, %lt3A_832 : vector<16xf32>
          %all_reduce_population_count3A_834 = tpu.all_reduce %lt3A_833 {dim = 0 : i64, kind = #tpu.reduction_kind<sum>} : vector<16xi1> -> vector<16xi32>
          %convert_element_type3A_835 = arith.extui %lt3A_833 : vector<16xi1> to vector<16xi32>
          %broadcast_in_dim3A_836 = arith.constant true
          %broadcast_in_dim3A_837 = vector.broadcast %broadcast_in_dim3A_836 : i1 to vector<16xi1>
          %masked_cumsum3A_838 = tpu.scan <sum>, %convert_element_type3A_835 masked %broadcast_in_dim3A_837 : vector<16xi32>, vector<16xi1> -> vector<16xi32>
          %add3A_839 = arith.addi %add3A_806, %masked_cumsum3A_838 : vector<16xi32>
          %sub3A_840 = arith.constant 1 : i32
          %sub3A_841 = vector.broadcast %sub3A_840 : i32 to vector<16xi32>
          %sub3A_842 = arith.subi %add3A_839, %sub3A_841 : vector<16xi32>
          %jit3A_843 = arith.constant 0 : i32
          %jit3A_844 = arith.constant 31 : i32
          %max3A_845 = vector.broadcast %jit3A_843 : i32 to vector<16xi32>
          %max3A_846 = arith.maxsi %max3A_845, %sub3A_842 : vector<16xi32>
          %min3A_847 = vector.broadcast %jit3A_844 : i32 to vector<16xi32>
          %min3A_848 = arith.minsi %min3A_847, %max3A_846 : vector<16xi32>
          %add3A_849 = vector.broadcast %add3A_808 : i32 to vector<16xi32>
          %add3A_850 = arith.addi %add3A_849, %iota3A : vector<16xi32>
          %lt3A_851 = arith.constant 32 : i32
          %lt3A_852 = vector.broadcast %lt3A_851 : i32 to vector<16xi32>
          %lt3A_853 = arith.cmpi slt, %sub3A_842, %lt3A_852 : vector<16xi32>
          %and3A_854 = arith.andi %lt3A_833, %lt3A_853 : vector<16xi1>
          tpu.vector_store_idx %arg10[%min3A_848], %add3A_850 masked %and3A_854 : memref<32xi32, #tpu.memory_space<vmem>>[vector<16xi32>], vector<16xi32>, vector<16xi1>
          %add3A_855 = arith.addi %add3A_806, %all_reduce_population_count3A_834 : vector<16xi32>
          %add3A_856 = arith.constant 208 : i32
          %add3A_857 = arith.addi %mul3A_222, %add3A_856 : i32
          %get3A_858 = arith.index_cast %add3A_857 : i32 to index
          %get3A_859 = tpu.vector_load %arg8[%get3A_858] {strides = array<i32>} : memref<8192xf32, #tpu.memory_space<vmem>>, vector<16xf32>,
          %get3A_860 = arith.index_cast %add3A_857 : i32 to index
          %get3A_861 = tpu.vector_load %arg7[%get3A_860] {strides = array<i32>} : memref<24576xf32, #tpu.memory_space<vmem>>, vector<16xf32>,
          %mul3A_862 = arith.mulf %bitcast3A_122, %get3A_861 : vector<16xf32>
          %add3A_863 = arith.constant 8192 : i32
          %add3A_864 = arith.addi %add3A_857, %add3A_863 : i32
          %get3A_865 = arith.index_cast %add3A_864 : i32 to index
          %get3A_866 = tpu.vector_load %arg7[%get3A_865] {strides = array<i32>} : memref<24576xf32, #tpu.memory_space<vmem>>, vector<16xf32>,
          %mul3A_867 = arith.mulf %bitcast3A_137, %get3A_866 : vector<16xf32>
          %add3A_868 = arith.addf %mul3A_862, %mul3A_867 : vector<16xf32>
          %add3A_869 = arith.constant 16384 : i32
          %add3A_870 = arith.addi %add3A_857, %add3A_869 : i32
          %get3A_871 = arith.index_cast %add3A_870 : i32 to index
          %get3A_872 = tpu.vector_load %arg7[%get3A_871] {strides = array<i32>} : memref<24576xf32, #tpu.memory_space<vmem>>, vector<16xf32>,
          %mul3A_873 = arith.mulf %bitcast3A_152, %get3A_872 : vector<16xf32>
          %add3A_874 = arith.addf %add3A_868, %mul3A_873 : vector<16xf32>
          %add3A_875 = arith.addf %add3A_109, %get3A_859 : vector<16xf32>
          %mul3A_876 = arith.constant 2.000000e+00 : f32
          %mul3A_877 = vector.broadcast %mul3A_876 : f32 to vector<16xf32>
          %mul3A_878 = arith.mulf %mul3A_877, %add3A_874 : vector<16xf32>
          %sub3A_879 = arith.subf %add3A_875, %mul3A_878 : vector<16xf32>
          %lt3A_880 = arith.constant 4.000000e-02 : f32
          %lt3A_881 = vector.broadcast %lt3A_880 : f32 to vector<16xf32>
          %lt3A_882 = arith.cmpf olt, %sub3A_879, %lt3A_881 : vector<16xf32>
          %all_reduce_population_count3A_883 = tpu.all_reduce %lt3A_882 {dim = 0 : i64, kind = #tpu.reduction_kind<sum>} : vector<16xi1> -> vector<16xi32>
          %convert_element_type3A_884 = arith.extui %lt3A_882 : vector<16xi1> to vector<16xi32>
          %broadcast_in_dim3A_885 = arith.constant true
          %broadcast_in_dim3A_886 = vector.broadcast %broadcast_in_dim3A_885 : i1 to vector<16xi1>
          %masked_cumsum3A_887 = tpu.scan <sum>, %convert_element_type3A_884 masked %broadcast_in_dim3A_886 : vector<16xi32>, vector<16xi1> -> vector<16xi32>
          %add3A_888 = arith.addi %add3A_855, %masked_cumsum3A_887 : vector<16xi32>
          %sub3A_889 = arith.constant 1 : i32
          %sub3A_890 = vector.broadcast %sub3A_889 : i32 to vector<16xi32>
          %sub3A_891 = arith.subi %add3A_888, %sub3A_890 : vector<16xi32>
          %jit3A_892 = arith.constant 0 : i32
          %jit3A_893 = arith.constant 31 : i32
          %max3A_894 = vector.broadcast %jit3A_892 : i32 to vector<16xi32>
          %max3A_895 = arith.maxsi %max3A_894, %sub3A_891 : vector<16xi32>
          %min3A_896 = vector.broadcast %jit3A_893 : i32 to vector<16xi32>
          %min3A_897 = arith.minsi %min3A_896, %max3A_895 : vector<16xi32>
          %add3A_898 = vector.broadcast %add3A_857 : i32 to vector<16xi32>
          %add3A_899 = arith.addi %add3A_898, %iota3A : vector<16xi32>
          %lt3A_900 = arith.constant 32 : i32
          %lt3A_901 = vector.broadcast %lt3A_900 : i32 to vector<16xi32>
          %lt3A_902 = arith.cmpi slt, %sub3A_891, %lt3A_901 : vector<16xi32>
          %and3A_903 = arith.andi %lt3A_882, %lt3A_902 : vector<16xi1>
          tpu.vector_store_idx %arg10[%min3A_897], %add3A_899 masked %and3A_903 : memref<32xi32, #tpu.memory_space<vmem>>[vector<16xi32>], vector<16xi32>, vector<16xi1>
          %add3A_904 = arith.addi %add3A_855, %all_reduce_population_count3A_883 : vector<16xi32>
          %add3A_905 = arith.constant 224 : i32
          %add3A_906 = arith.addi %mul3A_222, %add3A_905 : i32
          %get3A_907 = arith.index_cast %add3A_906 : i32 to index
          %get3A_908 = tpu.vector_load %arg8[%get3A_907] {strides = array<i32>} : memref<8192xf32, #tpu.memory_space<vmem>>, vector<16xf32>,
          %get3A_909 = arith.index_cast %add3A_906 : i32 to index
          %get3A_910 = tpu.vector_load %arg7[%get3A_909] {strides = array<i32>} : memref<24576xf32, #tpu.memory_space<vmem>>, vector<16xf32>,
          %mul3A_911 = arith.mulf %bitcast3A_122, %get3A_910 : vector<16xf32>
          %add3A_912 = arith.constant 8192 : i32
          %add3A_913 = arith.addi %add3A_906, %add3A_912 : i32
          %get3A_914 = arith.index_cast %add3A_913 : i32 to index
          %get3A_915 = tpu.vector_load %arg7[%get3A_914] {strides = array<i32>} : memref<24576xf32, #tpu.memory_space<vmem>>, vector<16xf32>,
          %mul3A_916 = arith.mulf %bitcast3A_137, %get3A_915 : vector<16xf32>
          %add3A_917 = arith.addf %mul3A_911, %mul3A_916 : vector<16xf32>
          %add3A_918 = arith.constant 16384 : i32
          %add3A_919 = arith.addi %add3A_906, %add3A_918 : i32
          %get3A_920 = arith.index_cast %add3A_919 : i32 to index
          %get3A_921 = tpu.vector_load %arg7[%get3A_920] {strides = array<i32>} : memref<24576xf32, #tpu.memory_space<vmem>>, vector<16xf32>,
          %mul3A_922 = arith.mulf %bitcast3A_152, %get3A_921 : vector<16xf32>
          %add3A_923 = arith.addf %add3A_917, %mul3A_922 : vector<16xf32>
          %add3A_924 = arith.addf %add3A_109, %get3A_908 : vector<16xf32>
          %mul3A_925 = arith.constant 2.000000e+00 : f32
          %mul3A_926 = vector.broadcast %mul3A_925 : f32 to vector<16xf32>
          %mul3A_927 = arith.mulf %mul3A_926, %add3A_923 : vector<16xf32>
          %sub3A_928 = arith.subf %add3A_924, %mul3A_927 : vector<16xf32>
          %lt3A_929 = arith.constant 4.000000e-02 : f32
          %lt3A_930 = vector.broadcast %lt3A_929 : f32 to vector<16xf32>
          %lt3A_931 = arith.cmpf olt, %sub3A_928, %lt3A_930 : vector<16xf32>
          %all_reduce_population_count3A_932 = tpu.all_reduce %lt3A_931 {dim = 0 : i64, kind = #tpu.reduction_kind<sum>} : vector<16xi1> -> vector<16xi32>
          %convert_element_type3A_933 = arith.extui %lt3A_931 : vector<16xi1> to vector<16xi32>
          %broadcast_in_dim3A_934 = arith.constant true
          %broadcast_in_dim3A_935 = vector.broadcast %broadcast_in_dim3A_934 : i1 to vector<16xi1>
          %masked_cumsum3A_936 = tpu.scan <sum>, %convert_element_type3A_933 masked %broadcast_in_dim3A_935 : vector<16xi32>, vector<16xi1> -> vector<16xi32>
          %add3A_937 = arith.addi %add3A_904, %masked_cumsum3A_936 : vector<16xi32>
          %sub3A_938 = arith.constant 1 : i32
          %sub3A_939 = vector.broadcast %sub3A_938 : i32 to vector<16xi32>
          %sub3A_940 = arith.subi %add3A_937, %sub3A_939 : vector<16xi32>
          %jit3A_941 = arith.constant 0 : i32
          %jit3A_942 = arith.constant 31 : i32
          %max3A_943 = vector.broadcast %jit3A_941 : i32 to vector<16xi32>
          %max3A_944 = arith.maxsi %max3A_943, %sub3A_940 : vector<16xi32>
          %min3A_945 = vector.broadcast %jit3A_942 : i32 to vector<16xi32>
          %min3A_946 = arith.minsi %min3A_945, %max3A_944 : vector<16xi32>
          %add3A_947 = vector.broadcast %add3A_906 : i32 to vector<16xi32>
          %add3A_948 = arith.addi %add3A_947, %iota3A : vector<16xi32>
          %lt3A_949 = arith.constant 32 : i32
          %lt3A_950 = vector.broadcast %lt3A_949 : i32 to vector<16xi32>
          %lt3A_951 = arith.cmpi slt, %sub3A_940, %lt3A_950 : vector<16xi32>
          %and3A_952 = arith.andi %lt3A_931, %lt3A_951 : vector<16xi1>
          tpu.vector_store_idx %arg10[%min3A_946], %add3A_948 masked %and3A_952 : memref<32xi32, #tpu.memory_space<vmem>>[vector<16xi32>], vector<16xi32>, vector<16xi1>
          %add3A_953 = arith.addi %add3A_904, %all_reduce_population_count3A_932 : vector<16xi32>
          %add3A_954 = arith.constant 240 : i32
          %add3A_955 = arith.addi %mul3A_222, %add3A_954 : i32
          %get3A_956 = arith.index_cast %add3A_955 : i32 to index
          %get3A_957 = tpu.vector_load %arg8[%get3A_956] {strides = array<i32>} : memref<8192xf32, #tpu.memory_space<vmem>>, vector<16xf32>,
          %get3A_958 = arith.index_cast %add3A_955 : i32 to index
          %get3A_959 = tpu.vector_load %arg7[%get3A_958] {strides = array<i32>} : memref<24576xf32, #tpu.memory_space<vmem>>, vector<16xf32>,
          %mul3A_960 = arith.mulf %bitcast3A_122, %get3A_959 : vector<16xf32>
          %add3A_961 = arith.constant 8192 : i32
          %add3A_962 = arith.addi %add3A_955, %add3A_961 : i32
          %get3A_963 = arith.index_cast %add3A_962 : i32 to index
          %get3A_964 = tpu.vector_load %arg7[%get3A_963] {strides = array<i32>} : memref<24576xf32, #tpu.memory_space<vmem>>, vector<16xf32>,
          %mul3A_965 = arith.mulf %bitcast3A_137, %get3A_964 : vector<16xf32>
          %add3A_966 = arith.addf %mul3A_960, %mul3A_965 : vector<16xf32>
          %add3A_967 = arith.constant 16384 : i32
          %add3A_968 = arith.addi %add3A_955, %add3A_967 : i32
          %get3A_969 = arith.index_cast %add3A_968 : i32 to index
          %get3A_970 = tpu.vector_load %arg7[%get3A_969] {strides = array<i32>} : memref<24576xf32, #tpu.memory_space<vmem>>, vector<16xf32>,
          %mul3A_971 = arith.mulf %bitcast3A_152, %get3A_970 : vector<16xf32>
          %add3A_972 = arith.addf %add3A_966, %mul3A_971 : vector<16xf32>
          %add3A_973 = arith.addf %add3A_109, %get3A_957 : vector<16xf32>
          %mul3A_974 = arith.constant 2.000000e+00 : f32
          %mul3A_975 = vector.broadcast %mul3A_974 : f32 to vector<16xf32>
          %mul3A_976 = arith.mulf %mul3A_975, %add3A_972 : vector<16xf32>
          %sub3A_977 = arith.subf %add3A_973, %mul3A_976 : vector<16xf32>
          %lt3A_978 = arith.constant 4.000000e-02 : f32
          %lt3A_979 = vector.broadcast %lt3A_978 : f32 to vector<16xf32>
          %lt3A_980 = arith.cmpf olt, %sub3A_977, %lt3A_979 : vector<16xf32>
          %all_reduce_population_count3A_981 = tpu.all_reduce %lt3A_980 {dim = 0 : i64, kind = #tpu.reduction_kind<sum>} : vector<16xi1> -> vector<16xi32>
          %convert_element_type3A_982 = arith.extui %lt3A_980 : vector<16xi1> to vector<16xi32>
          %broadcast_in_dim3A_983 = arith.constant true
          %broadcast_in_dim3A_984 = vector.broadcast %broadcast_in_dim3A_983 : i1 to vector<16xi1>
          %masked_cumsum3A_985 = tpu.scan <sum>, %convert_element_type3A_982 masked %broadcast_in_dim3A_984 : vector<16xi32>, vector<16xi1> -> vector<16xi32>
          %add3A_986 = arith.addi %add3A_953, %masked_cumsum3A_985 : vector<16xi32>
          %sub3A_987 = arith.constant 1 : i32
          %sub3A_988 = vector.broadcast %sub3A_987 : i32 to vector<16xi32>
          %sub3A_989 = arith.subi %add3A_986, %sub3A_988 : vector<16xi32>
          %jit3A_990 = arith.constant 0 : i32
          %jit3A_991 = arith.constant 31 : i32
          %max3A_992 = vector.broadcast %jit3A_990 : i32 to vector<16xi32>
          %max3A_993 = arith.maxsi %max3A_992, %sub3A_989 : vector<16xi32>
          %min3A_994 = vector.broadcast %jit3A_991 : i32 to vector<16xi32>
          %min3A_995 = arith.minsi %min3A_994, %max3A_993 : vector<16xi32>
          %add3A_996 = vector.broadcast %add3A_955 : i32 to vector<16xi32>
          %add3A_997 = arith.addi %add3A_996, %iota3A : vector<16xi32>
          %lt3A_998 = arith.constant 32 : i32
          %lt3A_999 = vector.broadcast %lt3A_998 : i32 to vector<16xi32>
          %lt3A_1000 = arith.cmpi slt, %sub3A_989, %lt3A_999 : vector<16xi32>
          %and3A_1001 = arith.andi %lt3A_980, %lt3A_1000 : vector<16xi1>
          tpu.vector_store_idx %arg10[%min3A_995], %add3A_997 masked %and3A_1001 : memref<32xi32, #tpu.memory_space<vmem>>[vector<16xi32>], vector<16xi32>, vector<16xi1>
          %add3A_1002 = arith.addi %add3A_953, %all_reduce_population_count3A_981 : vector<16xi32>
          scf.yield %add3A_1002 : vector<16xi32>
        } else {
          scf.yield %scan3A_216 : vector<16xi32>
        }
        scf.yield %cond3A_220 : vector<16xi32>
      }
      %scan3A_160 = arith.constant 32 : i32
      %get3A = arith.constant 0 : index
      %get3A_161 = tpu.vector_load %arg10[%get3A] {strides = array<i32>} : memref<32xi32, #tpu.memory_space<vmem>>, vector<16xi32>,
      %lt3A_162 = arith.cmpi slt, %iota3A, %scan3A_159 : vector<16xi32>
      %jit3A_163 = arith.constant 8192 : i32
      %broadcast_in_dim3A_164 = vector.broadcast %jit3A_163 : i32 to vector<16xi32>
      %select_n3A_165 = arith.select %lt3A_162, %get3A_161, %broadcast_in_dim3A_164 : vector<16xi1>, vector<16xi32>
      %reduce_min3A = arith.constant true
      %reduce_min3A_166 = vector.broadcast %reduce_min3A : i1 to vector<16xi1>
      %reduce_min3A_167 = arith.constant -2147483648 : i32
      %reduce_min3A_168 = vector.broadcast %reduce_min3A_167 : i32 to vector<16xi32>
      %reduce_min3A_169 = arith.xori %select_n3A_165, %reduce_min3A_168 : vector<16xi32>
      %reduce_min3A_170 = tpu.scan <min>, %reduce_min3A_169 masked %reduce_min3A_166 : vector<16xi32>, vector<16xi1> -> vector<16xi32>
      %reduce_min3A_171 = arith.xori %reduce_min3A_170, %reduce_min3A_168 : vector<16xi32>
      %reduce_min3A_172 = vector.extract %reduce_min3A_171[15] : i32 from vector<16xi32>
      %gt3A = arith.constant 0 : i32
      %gt3A_173 = vector.broadcast %gt3A : i32 to vector<16xi32>
      %gt3A_174 = arith.cmpi sgt, %scan3A_159, %gt3A_173 : vector<16xi32>
      %broadcast_in_dim3A_175 = arith.constant 0 : i32
      %broadcast_in_dim3A_176 = vector.broadcast %broadcast_in_dim3A_175 : i32 to vector<16xi32>
      %add3A_177 = vector.broadcast %reduce_min3A_172 : i32 to vector<16xi32>
      %add3A_178 = arith.addi %broadcast_in_dim3A_176, %add3A_177 : vector<16xi32>
      %jit3A_179 = arith.constant 0 : i32
      %broadcast_in_dim3A_180 = vector.broadcast %jit3A_179 : i32 to vector<16xi32>
      %select_n3A_181 = arith.select %gt3A_174, %add3A_178, %broadcast_in_dim3A_180 : vector<16xi1>, vector<16xi32>
      %add3A_182 = arith.constant 0 : i32
      %add3A_183 = vector.broadcast %add3A_182 : i32 to vector<16xi32>
      %add3A_184 = arith.addi %iota3A, %add3A_183 : vector<16xi32>
      %lt3A_185 = arith.cmpi slt, %add3A_184, %scan3A_159 : vector<16xi32>
      %get3A_186 = arith.constant 0 : index
      %get3A_187 = tpu.vector_load %arg10[%get3A_186] {strides = array<i32>} : memref<32xi32, #tpu.memory_space<vmem>>, vector<16xi32>,
      %select_n3A_188 = arith.select %lt3A_185, %get3A_187, %select_n3A_181 : vector<16xi1>, vector<16xi32>
      %mul3A_189 = arith.constant 8192 : i32
      %mul3A_190 = arith.muli %select_n3A, %mul3A_189 : i32
      %add3A_191 = vector.broadcast %mul3A_190 : i32 to vector<16xi32>
      %add3A_192 = arith.addi %select_n3A_188, %add3A_191 : vector<16xi32>
      %mul3A_193 = arith.constant 32 : i32
      %mul3A_194 = arith.muli %scan3A_95, %mul3A_193 : i32
      %add3A_195 = arith.constant 0 : i32
      %add3A_196 = arith.addi %mul3A_194, %add3A_195 : i32
      %swap3A = arith.index_cast %add3A_196 : i32 to index
      %swap3A_197 = tpu.vector_load %arg11[%swap3A] {strides = array<i32>} : memref<8192xi32, #tpu.memory_space<vmem>>, vector<16xi32>,
      tpu.vector_store %arg11[%swap3A], %add3A_192 {strides = array<i32>} : memref<8192xi32, #tpu.memory_space<vmem>>, vector<16xi32>,
      %add3A_198 = arith.constant 16 : i32
      %add3A_199 = vector.broadcast %add3A_198 : i32 to vector<16xi32>
      %add3A_200 = arith.addi %iota3A, %add3A_199 : vector<16xi32>
      %lt3A_201 = arith.cmpi slt, %add3A_200, %scan3A_159 : vector<16xi32>
      %get3A_202 = arith.constant 16 : index
      %get3A_203 = tpu.vector_load %arg10[%get3A_202] {strides = array<i32>} : memref<32xi32, #tpu.memory_space<vmem>>, vector<16xi32>,
      %select_n3A_204 = arith.select %lt3A_201, %get3A_203, %select_n3A_181 : vector<16xi1>, vector<16xi32>
      %mul3A_205 = arith.constant 8192 : i32
      %mul3A_206 = arith.muli %select_n3A, %mul3A_205 : i32
      %add3A_207 = vector.broadcast %mul3A_206 : i32 to vector<16xi32>
      %add3A_208 = arith.addi %select_n3A_204, %add3A_207 : vector<16xi32>
      %mul3A_209 = arith.constant 32 : i32
      %mul3A_210 = arith.muli %scan3A_95, %mul3A_209 : i32
      %add3A_211 = arith.constant 16 : i32
      %add3A_212 = arith.addi %mul3A_210, %add3A_211 : i32
      %swap3A_213 = arith.index_cast %add3A_212 : i32 to index
      %swap3A_214 = tpu.vector_load %arg11[%swap3A_213] {strides = array<i32>} : memref<8192xi32, #tpu.memory_space<vmem>>, vector<16xi32>,
      tpu.vector_store %arg11[%swap3A_213], %add3A_208 {strides = array<i32>} : memref<8192xi32, #tpu.memory_space<vmem>>, vector<16xi32>,
    }
    %scan3A_56 = arith.constant 256 : i32
    %dma_start3A = arith.constant 0 : i32
    %dma_start3A_57 = tpu.memref_slice %arg11[%dma_start3A] : memref<8192xi32, #tpu.memory_space<vmem>> -> memref<64xi32, #tpu.memory_space<vmem>>
    %dma_start3A_58 = arith.constant 0 : i32
    %dma_start3A_59 = arith.constant 0 : i32
    %dma_start3A_60 = tpu.memref_slice %arg4[%dma_start3A_58, %dma_start3A_59] : memref<32768x128xf32, #tpu.memory_space<hbm>> -> memref<32768x128xf32, #tpu.memory_space<hbm>>
    tpu.enqueue_indirect_dma source(%dma_start3A_60 : memref<32768x128xf32, #tpu.memory_space<hbm>>) target(%arg12 : memref<64x128xf32, #tpu.memory_space<vmem>>) offsets(%dma_start3A_57 : memref<64xi32, #tpu.memory_space<vmem>>) semaphore(%arg16 : memref<!tpu.dma_semaphore, #tpu.memory_space<semaphore_mem>>)
    %dma_start3A_61 = arith.constant 64 : i32
    %dma_start3A_62 = tpu.memref_slice %arg11[%dma_start3A_61] : memref<8192xi32, #tpu.memory_space<vmem>> -> memref<64xi32, #tpu.memory_space<vmem>>
    %dma_start3A_63 = arith.constant 0 : i32
    %dma_start3A_64 = arith.constant 0 : i32
    %dma_start3A_65 = tpu.memref_slice %arg4[%dma_start3A_63, %dma_start3A_64] : memref<32768x128xf32, #tpu.memory_space<hbm>> -> memref<32768x128xf32, #tpu.memory_space<hbm>>
    tpu.enqueue_indirect_dma source(%dma_start3A_65 : memref<32768x128xf32, #tpu.memory_space<hbm>>) target(%arg13 : memref<64x128xf32, #tpu.memory_space<vmem>>) offsets(%dma_start3A_62 : memref<64xi32, #tpu.memory_space<vmem>>) semaphore(%arg17 : memref<!tpu.dma_semaphore, #tpu.memory_space<semaphore_mem>>)
    %scan3A_66 = arith.constant 0 : i32
    %scan3A_67 = arith.constant 0 : i32
    %scan3A_68 = arith.constant 32 : i32
    %scan3A_69 = arith.addi %scan3A_67, %scan3A_68 : i32
    %scan3A_70 = arith.constant 1 : i32
    scf.for %scan3A_95 = %scan3A_67 to %scan3A_69 step %scan3A_70  : i32 {
      %mul3A_96 = arith.constant 4 : i32
      %mul3A_97 = arith.muli %scan3A_95, %mul3A_96 : i32
      %add3A_98 = arith.constant 0 : i32
      %add3A_99 = arith.addi %mul3A_97, %add3A_98 : i32
      %add3A_100 = arith.constant 2 : i32
      %add3A_101 = arith.addi %add3A_99, %add3A_100 : i32
      %lt3A_102 = arith.constant 128 : i32
      %lt3A_103 = arith.cmpi slt, %add3A_101, %lt3A_102 : i32
      %convert_element_type3A = arith.extui %lt3A_103 : i1 to i32
      %cond3A = arith.constant 0 : i32
      %cond3A_104 = arith.cmpi ne, %convert_element_type3A, %cond3A : i32
      scf.if %cond3A_104 {
        %ge3A = arith.constant 4 : i32
        %ge3A_190 = arith.cmpi sge, %add3A_101, %ge3A : i32
        %convert_element_type3A_191 = arith.extui %ge3A_190 : i1 to i32
        %cond3A_192 = arith.constant 0 : i32
        %cond3A_193 = arith.cmpi ne, %convert_element_type3A_191, %cond3A_192 : i32
        scf.if %cond3A_193 {
          %dma_wait3A_200 = arith.constant 0 : i32
          %dma_wait3A_201 = arith.constant 0 : i32
          %dma_wait3A_202 = tpu.memref_slice %arg5[%dma_wait3A_200, %dma_wait3A_201] : memref<262144x128xf32, #tpu.memory_space<hbm>> -> memref<64x128xf32, #tpu.memory_space<hbm>>
          %dma_wait3A_203 = arith.constant 0 : i32
          %dma_wait3A_204 = arith.constant 0 : i32
          %dma_wait3A_205 = tpu.memref_slice %arg5[%dma_wait3A_203, %dma_wait3A_204] : memref<262144x128xf32, #tpu.memory_space<hbm>> -> memref<64x128xf32, #tpu.memory_space<hbm>>
          tpu.wait_dma2 semaphore(%arg22 : memref<!tpu.dma_semaphore, #tpu.memory_space<semaphore_mem>>) src(%dma_wait3A_205 : memref<64x128xf32, #tpu.memory_space<hbm>>) dst(%arg14 : memref<64x128xf32, #tpu.memory_space<vmem>>)
        } else {
        }
        %mul3A_194 = arith.constant 64 : i32
        %mul3A_195 = arith.muli %add3A_101, %mul3A_194 : i32
        %dma_start3A_196 = tpu.memref_slice %arg11[%mul3A_195] : memref<8192xi32, #tpu.memory_space<vmem>> -> memref<64xi32, #tpu.memory_space<vmem>>
        %dma_start3A_197 = arith.constant 0 : i32
        %dma_start3A_198 = arith.constant 0 : i32
        %dma_start3A_199 = tpu.memref_slice %arg4[%dma_start3A_197, %dma_start3A_198] : memref<32768x128xf32, #tpu.memory_space<hbm>> -> memref<32768x128xf32, #tpu.memory_space<hbm>>
        tpu.enqueue_indirect_dma source(%dma_start3A_199 : memref<32768x128xf32, #tpu.memory_space<hbm>>) target(%arg14 : memref<64x128xf32, #tpu.memory_space<vmem>>) offsets(%dma_start3A_196 : memref<64xi32, #tpu.memory_space<vmem>>) semaphore(%arg18 : memref<!tpu.dma_semaphore, #tpu.memory_space<semaphore_mem>>)
      } else {
      }
      %dma_wait3A_105 = arith.constant 0 : i32
      %dma_wait3A_106 = arith.constant 0 : i32
      %dma_wait3A_107 = tpu.memref_slice %arg5[%dma_wait3A_105, %dma_wait3A_106] : memref<262144x128xf32, #tpu.memory_space<hbm>> -> memref<64x128xf32, #tpu.memory_space<hbm>>
      %dma_wait3A_108 = arith.constant 0 : i32
      %dma_wait3A_109 = arith.constant 0 : i32
      %dma_wait3A_110 = tpu.memref_slice %arg5[%dma_wait3A_108, %dma_wait3A_109] : memref<262144x128xf32, #tpu.memory_space<hbm>> -> memref<64x128xf32, #tpu.memory_space<hbm>>
      tpu.wait_dma2 semaphore(%arg16 : memref<!tpu.dma_semaphore, #tpu.memory_space<semaphore_mem>>) src(%dma_wait3A_110 : memref<64x128xf32, #tpu.memory_space<hbm>>) dst(%arg12 : memref<64x128xf32, #tpu.memory_space<vmem>>)
      %mul3A_111 = arith.constant 64 : i32
      %mul3A_112 = arith.muli %add3A_99, %mul3A_111 : i32
      %add3A_113 = arith.addi %mul3A_37, %mul3A_112 : i32
      %dma_start3A_114 = arith.constant 0 : i32
      %dma_start3A_115 = tpu.memref_slice %arg5[%add3A_113, %dma_start3A_114] : memref<262144x128xf32, #tpu.memory_space<hbm>> -> memref<64x128xf32, #tpu.memory_space<hbm>>
      %dma_start3A_116 = arith.constant 0 : i32
      %dma_start3A_117 = tpu.memref_slice %arg5[%add3A_113, %dma_start3A_116] : memref<262144x128xf32, #tpu.memory_space<hbm>> -> memref<64x128xf32, #tpu.memory_space<hbm>>
      tpu.enqueue_dma source(%arg12 : memref<64x128xf32, #tpu.memory_space<vmem>>) target(%dma_start3A_117 : memref<64x128xf32, #tpu.memory_space<hbm>>) target_semaphore(%arg20 : memref<!tpu.dma_semaphore, #tpu.memory_space<semaphore_mem>>)
      %mul3A_118 = arith.constant 4 : i32
      %mul3A_119 = arith.muli %scan3A_95, %mul3A_118 : i32
      %add3A_120 = arith.constant 1 : i32
      %add3A_121 = arith.addi %mul3A_119, %add3A_120 : i32
      %add3A_122 = arith.constant 2 : i32
      %add3A_123 = arith.addi %add3A_121, %add3A_122 : i32
      %lt3A_124 = arith.constant 128 : i32
      %lt3A_125 = arith.cmpi slt, %add3A_123, %lt3A_124 : i32
      %convert_element_type3A_126 = arith.extui %lt3A_125 : i1 to i32
      %cond3A_127 = arith.constant 0 : i32
      %cond3A_128 = arith.cmpi ne, %convert_element_type3A_126, %cond3A_127 : i32
      scf.if %cond3A_128 {
        %ge3A = arith.constant 4 : i32
        %ge3A_190 = arith.cmpi sge, %add3A_123, %ge3A : i32
        %convert_element_type3A_191 = arith.extui %ge3A_190 : i1 to i32
        %cond3A_192 = arith.constant 0 : i32
        %cond3A_193 = arith.cmpi ne, %convert_element_type3A_191, %cond3A_192 : i32
        scf.if %cond3A_193 {
          %dma_wait3A_200 = arith.constant 0 : i32
          %dma_wait3A_201 = arith.constant 0 : i32
          %dma_wait3A_202 = tpu.memref_slice %arg5[%dma_wait3A_200, %dma_wait3A_201] : memref<262144x128xf32, #tpu.memory_space<hbm>> -> memref<64x128xf32, #tpu.memory_space<hbm>>
          %dma_wait3A_203 = arith.constant 0 : i32
          %dma_wait3A_204 = arith.constant 0 : i32
          %dma_wait3A_205 = tpu.memref_slice %arg5[%dma_wait3A_203, %dma_wait3A_204] : memref<262144x128xf32, #tpu.memory_space<hbm>> -> memref<64x128xf32, #tpu.memory_space<hbm>>
          tpu.wait_dma2 semaphore(%arg23 : memref<!tpu.dma_semaphore, #tpu.memory_space<semaphore_mem>>) src(%dma_wait3A_205 : memref<64x128xf32, #tpu.memory_space<hbm>>) dst(%arg15 : memref<64x128xf32, #tpu.memory_space<vmem>>)
        } else {
        }
        %mul3A_194 = arith.constant 64 : i32
        %mul3A_195 = arith.muli %add3A_123, %mul3A_194 : i32
        %dma_start3A_196 = tpu.memref_slice %arg11[%mul3A_195] : memref<8192xi32, #tpu.memory_space<vmem>> -> memref<64xi32, #tpu.memory_space<vmem>>
        %dma_start3A_197 = arith.constant 0 : i32
        %dma_start3A_198 = arith.constant 0 : i32
        %dma_start3A_199 = tpu.memref_slice %arg4[%dma_start3A_197, %dma_start3A_198] : memref<32768x128xf32, #tpu.memory_space<hbm>> -> memref<32768x128xf32, #tpu.memory_space<hbm>>
        tpu.enqueue_indirect_dma source(%dma_start3A_199 : memref<32768x128xf32, #tpu.memory_space<hbm>>) target(%arg15 : memref<64x128xf32, #tpu.memory_space<vmem>>) offsets(%dma_start3A_196 : memref<64xi32, #tpu.memory_space<vmem>>) semaphore(%arg19 : memref<!tpu.dma_semaphore, #tpu.memory_space<semaphore_mem>>)
      } else {
      }
      %dma_wait3A_129 = arith.constant 0 : i32
      %dma_wait3A_130 = arith.constant 0 : i32
      %dma_wait3A_131 = tpu.memref_slice %arg5[%dma_wait3A_129, %dma_wait3A_130] : memref<262144x128xf32, #tpu.memory_space<hbm>> -> memref<64x128xf32, #tpu.memory_space<hbm>>
      %dma_wait3A_132 = arith.constant 0 : i32
      %dma_wait3A_133 = arith.constant 0 : i32
      %dma_wait3A_134 = tpu.memref_slice %arg5[%dma_wait3A_132, %dma_wait3A_133] : memref<262144x128xf32, #tpu.memory_space<hbm>> -> memref<64x128xf32, #tpu.memory_space<hbm>>
      tpu.wait_dma2 semaphore(%arg17 : memref<!tpu.dma_semaphore, #tpu.memory_space<semaphore_mem>>) src(%dma_wait3A_134 : memref<64x128xf32, #tpu.memory_space<hbm>>) dst(%arg13 : memref<64x128xf32, #tpu.memory_space<vmem>>)
      %mul3A_135 = arith.constant 64 : i32
      %mul3A_136 = arith.muli %add3A_121, %mul3A_135 : i32
      %add3A_137 = arith.addi %mul3A_37, %mul3A_136 : i32
      %dma_start3A_138 = arith.constant 0 : i32
      %dma_start3A_139 = tpu.memref_slice %arg5[%add3A_137, %dma_start3A_138] : memref<262144x128xf32, #tpu.memory_space<hbm>> -> memref<64x128xf32, #tpu.memory_space<hbm>>
      %dma_start3A_140 = arith.constant 0 : i32
      %dma_start3A_141 = tpu.memref_slice %arg5[%add3A_137, %dma_start3A_140] : memref<262144x128xf32, #tpu.memory_space<hbm>> -> memref<64x128xf32, #tpu.memory_space<hbm>>
      tpu.enqueue_dma source(%arg13 : memref<64x128xf32, #tpu.memory_space<vmem>>) target(%dma_start3A_141 : memref<64x128xf32, #tpu.memory_space<hbm>>) target_semaphore(%arg21 : memref<!tpu.dma_semaphore, #tpu.memory_space<semaphore_mem>>)
      %mul3A_142 = arith.constant 4 : i32
      %mul3A_143 = arith.muli %scan3A_95, %mul3A_142 : i32
      %add3A_144 = arith.constant 2 : i32
      %add3A_145 = arith.addi %mul3A_143, %add3A_144 : i32
      %add3A_146 = arith.constant 2 : i32
      %add3A_147 = arith.addi %add3A_145, %add3A_146 : i32
      %lt3A_148 = arith.constant 128 : i32
      %lt3A_149 = arith.cmpi slt, %add3A_147, %lt3A_148 : i32
      %convert_element_type3A_150 = arith.extui %lt3A_149 : i1 to i32
      %cond3A_151 = arith.constant 0 : i32
      %cond3A_152 = arith.cmpi ne, %convert_element_type3A_150, %cond3A_151 : i32
      scf.if %cond3A_152 {
        %ge3A = arith.constant 4 : i32
        %ge3A_190 = arith.cmpi sge, %add3A_147, %ge3A : i32
        %convert_element_type3A_191 = arith.extui %ge3A_190 : i1 to i32
        %cond3A_192 = arith.constant 0 : i32
        %cond3A_193 = arith.cmpi ne, %convert_element_type3A_191, %cond3A_192 : i32
        scf.if %cond3A_193 {
          %dma_wait3A_200 = arith.constant 0 : i32
          %dma_wait3A_201 = arith.constant 0 : i32
          %dma_wait3A_202 = tpu.memref_slice %arg5[%dma_wait3A_200, %dma_wait3A_201] : memref<262144x128xf32, #tpu.memory_space<hbm>> -> memref<64x128xf32, #tpu.memory_space<hbm>>
          %dma_wait3A_203 = arith.constant 0 : i32
          %dma_wait3A_204 = arith.constant 0 : i32
          %dma_wait3A_205 = tpu.memref_slice %arg5[%dma_wait3A_203, %dma_wait3A_204] : memref<262144x128xf32, #tpu.memory_space<hbm>> -> memref<64x128xf32, #tpu.memory_space<hbm>>
          tpu.wait_dma2 semaphore(%arg20 : memref<!tpu.dma_semaphore, #tpu.memory_space<semaphore_mem>>) src(%dma_wait3A_205 : memref<64x128xf32, #tpu.memory_space<hbm>>) dst(%arg12 : memref<64x128xf32, #tpu.memory_space<vmem>>)
        } else {
        }
        %mul3A_194 = arith.constant 64 : i32
        %mul3A_195 = arith.muli %add3A_147, %mul3A_194 : i32
        %dma_start3A_196 = tpu.memref_slice %arg11[%mul3A_195] : memref<8192xi32, #tpu.memory_space<vmem>> -> memref<64xi32, #tpu.memory_space<vmem>>
        %dma_start3A_197 = arith.constant 0 : i32
        %dma_start3A_198 = arith.constant 0 : i32
        %dma_start3A_199 = tpu.memref_slice %arg4[%dma_start3A_197, %dma_start3A_198] : memref<32768x128xf32, #tpu.memory_space<hbm>> -> memref<32768x128xf32, #tpu.memory_space<hbm>>
        tpu.enqueue_indirect_dma source(%dma_start3A_199 : memref<32768x128xf32, #tpu.memory_space<hbm>>) target(%arg12 : memref<64x128xf32, #tpu.memory_space<vmem>>) offsets(%dma_start3A_196 : memref<64xi32, #tpu.memory_space<vmem>>) semaphore(%arg16 : memref<!tpu.dma_semaphore, #tpu.memory_space<semaphore_mem>>)
      } else {
      }
      %dma_wait3A_153 = arith.constant 0 : i32
      %dma_wait3A_154 = arith.constant 0 : i32
      %dma_wait3A_155 = tpu.memref_slice %arg5[%dma_wait3A_153, %dma_wait3A_154] : memref<262144x128xf32, #tpu.memory_space<hbm>> -> memref<64x128xf32, #tpu.memory_space<hbm>>
      %dma_wait3A_156 = arith.constant 0 : i32
      %dma_wait3A_157 = arith.constant 0 : i32
      %dma_wait3A_158 = tpu.memref_slice %arg5[%dma_wait3A_156, %dma_wait3A_157] : memref<262144x128xf32, #tpu.memory_space<hbm>> -> memref<64x128xf32, #tpu.memory_space<hbm>>
      tpu.wait_dma2 semaphore(%arg18 : memref<!tpu.dma_semaphore, #tpu.memory_space<semaphore_mem>>) src(%dma_wait3A_158 : memref<64x128xf32, #tpu.memory_space<hbm>>) dst(%arg14 : memref<64x128xf32, #tpu.memory_space<vmem>>)
      %mul3A_159 = arith.constant 64 : i32
      %mul3A_160 = arith.muli %add3A_145, %mul3A_159 : i32
      %add3A_161 = arith.addi %mul3A_37, %mul3A_160 : i32
      %dma_start3A_162 = arith.constant 0 : i32
      %dma_start3A_163 = tpu.memref_slice %arg5[%add3A_161, %dma_start3A_162] : memref<262144x128xf32, #tpu.memory_space<hbm>> -> memref<64x128xf32, #tpu.memory_space<hbm>>
      %dma_start3A_164 = arith.constant 0 : i32
      %dma_start3A_165 = tpu.memref_slice %arg5[%add3A_161, %dma_start3A_164] : memref<262144x128xf32, #tpu.memory_space<hbm>> -> memref<64x128xf32, #tpu.memory_space<hbm>>
      tpu.enqueue_dma source(%arg14 : memref<64x128xf32, #tpu.memory_space<vmem>>) target(%dma_start3A_165 : memref<64x128xf32, #tpu.memory_space<hbm>>) target_semaphore(%arg22 : memref<!tpu.dma_semaphore, #tpu.memory_space<semaphore_mem>>)
      %mul3A_166 = arith.constant 4 : i32
      %mul3A_167 = arith.muli %scan3A_95, %mul3A_166 : i32
      %add3A_168 = arith.constant 3 : i32
      %add3A_169 = arith.addi %mul3A_167, %add3A_168 : i32
      %add3A_170 = arith.constant 2 : i32
      %add3A_171 = arith.addi %add3A_169, %add3A_170 : i32
      %lt3A_172 = arith.constant 128 : i32
      %lt3A_173 = arith.cmpi slt, %add3A_171, %lt3A_172 : i32
      %convert_element_type3A_174 = arith.extui %lt3A_173 : i1 to i32
      %cond3A_175 = arith.constant 0 : i32
      %cond3A_176 = arith.cmpi ne, %convert_element_type3A_174, %cond3A_175 : i32
      scf.if %cond3A_176 {
        %ge3A = arith.constant 4 : i32
        %ge3A_190 = arith.cmpi sge, %add3A_171, %ge3A : i32
        %convert_element_type3A_191 = arith.extui %ge3A_190 : i1 to i32
        %cond3A_192 = arith.constant 0 : i32
        %cond3A_193 = arith.cmpi ne, %convert_element_type3A_191, %cond3A_192 : i32
        scf.if %cond3A_193 {
          %dma_wait3A_200 = arith.constant 0 : i32
          %dma_wait3A_201 = arith.constant 0 : i32
          %dma_wait3A_202 = tpu.memref_slice %arg5[%dma_wait3A_200, %dma_wait3A_201] : memref<262144x128xf32, #tpu.memory_space<hbm>> -> memref<64x128xf32, #tpu.memory_space<hbm>>
          %dma_wait3A_203 = arith.constant 0 : i32
          %dma_wait3A_204 = arith.constant 0 : i32
          %dma_wait3A_205 = tpu.memref_slice %arg5[%dma_wait3A_203, %dma_wait3A_204] : memref<262144x128xf32, #tpu.memory_space<hbm>> -> memref<64x128xf32, #tpu.memory_space<hbm>>
          tpu.wait_dma2 semaphore(%arg21 : memref<!tpu.dma_semaphore, #tpu.memory_space<semaphore_mem>>) src(%dma_wait3A_205 : memref<64x128xf32, #tpu.memory_space<hbm>>) dst(%arg13 : memref<64x128xf32, #tpu.memory_space<vmem>>)
        } else {
        }
        %mul3A_194 = arith.constant 64 : i32
        %mul3A_195 = arith.muli %add3A_171, %mul3A_194 : i32
        %dma_start3A_196 = tpu.memref_slice %arg11[%mul3A_195] : memref<8192xi32, #tpu.memory_space<vmem>> -> memref<64xi32, #tpu.memory_space<vmem>>
        %dma_start3A_197 = arith.constant 0 : i32
        %dma_start3A_198 = arith.constant 0 : i32
        %dma_start3A_199 = tpu.memref_slice %arg4[%dma_start3A_197, %dma_start3A_198] : memref<32768x128xf32, #tpu.memory_space<hbm>> -> memref<32768x128xf32, #tpu.memory_space<hbm>>
        tpu.enqueue_indirect_dma source(%dma_start3A_199 : memref<32768x128xf32, #tpu.memory_space<hbm>>) target(%arg13 : memref<64x128xf32, #tpu.memory_space<vmem>>) offsets(%dma_start3A_196 : memref<64xi32, #tpu.memory_space<vmem>>) semaphore(%arg17 : memref<!tpu.dma_semaphore, #tpu.memory_space<semaphore_mem>>)
      } else {
      }
      %dma_wait3A_177 = arith.constant 0 : i32
      %dma_wait3A_178 = arith.constant 0 : i32
      %dma_wait3A_179 = tpu.memref_slice %arg5[%dma_wait3A_177, %dma_wait3A_178] : memref<262144x128xf32, #tpu.memory_space<hbm>> -> memref<64x128xf32, #tpu.memory_space<hbm>>
      %dma_wait3A_180 = arith.constant 0 : i32
      %dma_wait3A_181 = arith.constant 0 : i32
      %dma_wait3A_182 = tpu.memref_slice %arg5[%dma_wait3A_180, %dma_wait3A_181] : memref<262144x128xf32, #tpu.memory_space<hbm>> -> memref<64x128xf32, #tpu.memory_space<hbm>>
      tpu.wait_dma2 semaphore(%arg19 : memref<!tpu.dma_semaphore, #tpu.memory_space<semaphore_mem>>) src(%dma_wait3A_182 : memref<64x128xf32, #tpu.memory_space<hbm>>) dst(%arg15 : memref<64x128xf32, #tpu.memory_space<vmem>>)
      %mul3A_183 = arith.constant 64 : i32
      %mul3A_184 = arith.muli %add3A_169, %mul3A_183 : i32
      %add3A_185 = arith.addi %mul3A_37, %mul3A_184 : i32
      %dma_start3A_186 = arith.constant 0 : i32
      %dma_start3A_187 = tpu.memref_slice %arg5[%add3A_185, %dma_start3A_186] : memref<262144x128xf32, #tpu.memory_space<hbm>> -> memref<64x128xf32, #tpu.memory_space<hbm>>
      %dma_start3A_188 = arith.constant 0 : i32
      %dma_start3A_189 = tpu.memref_slice %arg5[%add3A_185, %dma_start3A_188] : memref<262144x128xf32, #tpu.memory_space<hbm>> -> memref<64x128xf32, #tpu.memory_space<hbm>>
      tpu.enqueue_dma source(%arg15 : memref<64x128xf32, #tpu.memory_space<vmem>>) target(%dma_start3A_189 : memref<64x128xf32, #tpu.memory_space<hbm>>) target_semaphore(%arg23 : memref<!tpu.dma_semaphore, #tpu.memory_space<semaphore_mem>>)
    }
    %scan3A_71 = arith.constant 32 : i32
    %dma_wait3A = arith.constant 0 : i32
    %dma_wait3A_72 = arith.constant 0 : i32
    %dma_wait3A_73 = tpu.memref_slice %arg5[%dma_wait3A, %dma_wait3A_72] : memref<262144x128xf32, #tpu.memory_space<hbm>> -> memref<64x128xf32, #tpu.memory_space<hbm>>
    %dma_wait3A_74 = arith.constant 0 : i32
    %dma_wait3A_75 = arith.constant 0 : i32
    %dma_wait3A_76 = tpu.memref_slice %arg5[%dma_wait3A_74, %dma_wait3A_75] : memref<262144x128xf32, #tpu.memory_space<hbm>> -> memref<64x128xf32, #tpu.memory_space<hbm>>
    tpu.wait_dma2 semaphore(%arg20 : memref<!tpu.dma_semaphore, #tpu.memory_space<semaphore_mem>>) src(%dma_wait3A_76 : memref<64x128xf32, #tpu.memory_space<hbm>>) dst(%arg12 : memref<64x128xf32, #tpu.memory_space<vmem>>)
    %dma_wait3A_77 = arith.constant 0 : i32
    %dma_wait3A_78 = arith.constant 0 : i32
    %dma_wait3A_79 = tpu.memref_slice %arg5[%dma_wait3A_77, %dma_wait3A_78] : memref<262144x128xf32, #tpu.memory_space<hbm>> -> memref<64x128xf32, #tpu.memory_space<hbm>>
    %dma_wait3A_80 = arith.constant 0 : i32
    %dma_wait3A_81 = arith.constant 0 : i32
    %dma_wait3A_82 = tpu.memref_slice %arg5[%dma_wait3A_80, %dma_wait3A_81] : memref<262144x128xf32, #tpu.memory_space<hbm>> -> memref<64x128xf32, #tpu.memory_space<hbm>>
    tpu.wait_dma2 semaphore(%arg21 : memref<!tpu.dma_semaphore, #tpu.memory_space<semaphore_mem>>) src(%dma_wait3A_82 : memref<64x128xf32, #tpu.memory_space<hbm>>) dst(%arg13 : memref<64x128xf32, #tpu.memory_space<vmem>>)
    %dma_wait3A_83 = arith.constant 0 : i32
    %dma_wait3A_84 = arith.constant 0 : i32
    %dma_wait3A_85 = tpu.memref_slice %arg5[%dma_wait3A_83, %dma_wait3A_84] : memref<262144x128xf32, #tpu.memory_space<hbm>> -> memref<64x128xf32, #tpu.memory_space<hbm>>
    %dma_wait3A_86 = arith.constant 0 : i32
    %dma_wait3A_87 = arith.constant 0 : i32
    %dma_wait3A_88 = tpu.memref_slice %arg5[%dma_wait3A_86, %dma_wait3A_87] : memref<262144x128xf32, #tpu.memory_space<hbm>> -> memref<64x128xf32, #tpu.memory_space<hbm>>
    tpu.wait_dma2 semaphore(%arg22 : memref<!tpu.dma_semaphore, #tpu.memory_space<semaphore_mem>>) src(%dma_wait3A_88 : memref<64x128xf32, #tpu.memory_space<hbm>>) dst(%arg14 : memref<64x128xf32, #tpu.memory_space<vmem>>)
    %dma_wait3A_89 = arith.constant 0 : i32
    %dma_wait3A_90 = arith.constant 0 : i32
    %dma_wait3A_91 = tpu.memref_slice %arg5[%dma_wait3A_89, %dma_wait3A_90] : memref<262144x128xf32, #tpu.memory_space<hbm>> -> memref<64x128xf32, #tpu.memory_space<hbm>>
    %dma_wait3A_92 = arith.constant 0 : i32
    %dma_wait3A_93 = arith.constant 0 : i32
    %dma_wait3A_94 = tpu.memref_slice %arg5[%dma_wait3A_92, %dma_wait3A_93] : memref<262144x128xf32, #tpu.memory_space<hbm>> -> memref<64x128xf32, #tpu.memory_space<hbm>>
    tpu.wait_dma2 semaphore(%arg23 : memref<!tpu.dma_semaphore, #tpu.memory_space<semaphore_mem>>) src(%dma_wait3A_94 : memref<64x128xf32, #tpu.memory_space<hbm>>) dst(%arg15 : memref<64x128xf32, #tpu.memory_space<vmem>>)
    return
  }
}

module attributes {stable_mosaic.version = 14 : i64} {
  func.func @body(%arg0: i32, %arg1: i32, %arg2: memref<8192x128xf32, #tpu.memory_space<vmem>>, %arg3: memref<1x3x256xf32, #tpu.memory_space<vmem>>, %arg4: memref<1x67x32x256xf32, #tpu.memory_space<vmem>>) attributes {dimension_semantics = [#tpu.dimension_semantics<arbitrary>, #tpu.dimension_semantics<arbitrary>], iteration_bounds = array<i64: 4, 8>, scalar_prefetch = 0 : i64, scratch_operands = 0 : i64, tpu.core_type = #tpu.core_type<tc>, window_params = [{transform_indices = @transform_0, window_bounds = array<i64: 8192, 128>}, {transform_indices = @transform_1, window_bounds = array<i64: 1, 3, 256>}, {transform_indices = @transform_2, window_bounds = array<i64: 1, 67, 32, 256>}]} {
    %get3A = arith.constant 0 : index
    %get3A_0 = arith.constant 0 : index
    %get3A_1 = vector.load %arg2[%get3A, %get3A_0] : memref<8192x128xf32, #tpu.memory_space<vmem>>, vector<8192x128xf32>
    %transpose3A = tpu.transpose %get3A_1, [1, 0] : vector<8192x128xf32> -> vector<128x8192xf32>
    %reshape3A = vector.shape_cast %transpose3A : vector<128x8192xf32> to vector<128x256x32xf32>
    %transpose3A_2 = tpu.transpose %reshape3A, [0, 2, 1] : vector<128x256x32xf32> -> vector<128x32x256xf32>
    %get3A_3 = arith.constant 0 : index
    %get3A_4 = arith.constant 0 : index
    %get3A_5 = arith.constant 0 : index
    %get3A_6 = vector.load %arg3[%get3A_3, %get3A_4, %get3A_5] : memref<1x3x256xf32, #tpu.memory_space<vmem>>, vector<1x3x256xf32>
    %get3A_7 = vector.shape_cast %get3A_6 : vector<1x3x256xf32> to vector<3x256xf32>
    %slice3A = vector.extract_strided_slice %transpose3A_2 {offsets = [0, 0, 0], sizes = [3, 32, 256], strides = [1, 1, 1]} : vector<128x32x256xf32> to vector<3x32x256xf32>
    %broadcast_in_dim3A = vector.shape_cast %get3A_7 : vector<3x256xf32> to vector<3x1x256xf32>
    %sub3A = vector.broadcast %broadcast_in_dim3A : vector<3x1x256xf32> to vector<3x32x256xf32>
    %sub3A_8 = arith.subf %slice3A, %sub3A : vector<3x32x256xf32>
    %swap3A = arith.constant 0 : index
    %swap3A_9 = arith.constant 0 : index
    %swap3A_10 = arith.constant 0 : index
    %swap3A_11 = arith.constant 0 : index
    %swap3A_12 = vector.load %arg4[%swap3A, %swap3A_9, %swap3A_10, %swap3A_11] : memref<1x67x32x256xf32, #tpu.memory_space<vmem>>, vector<1x3x32x256xf32>
    %swap3A_13 = vector.shape_cast %swap3A_12 : vector<1x3x32x256xf32> to vector<3x32x256xf32>
    %swap3A_14 = vector.shape_cast %sub3A_8 : vector<3x32x256xf32> to vector<1x3x32x256xf32>
    tpu.vector_store %arg4[%swap3A, %swap3A_9, %swap3A_10, %swap3A_11], %swap3A_14 {strides = array<i32>} : memref<1x67x32x256xf32, #tpu.memory_space<vmem>>, vector<1x3x32x256xf32>,
    %slice3A_15 = vector.extract_strided_slice %transpose3A_2 {offsets = [3, 0, 0], sizes = [64, 32, 256], strides = [1, 1, 1]} : vector<128x32x256xf32> to vector<64x32x256xf32>
    %swap3A_16 = arith.constant 0 : index
    %swap3A_17 = arith.constant 3 : index
    %swap3A_18 = arith.constant 0 : index
    %swap3A_19 = arith.constant 0 : index
    %swap3A_20 = vector.load %arg4[%swap3A_16, %swap3A_17, %swap3A_18, %swap3A_19] : memref<1x67x32x256xf32, #tpu.memory_space<vmem>>, vector<1x64x32x256xf32>
    %swap3A_21 = vector.shape_cast %swap3A_20 : vector<1x64x32x256xf32> to vector<64x32x256xf32>
    %swap3A_22 = vector.shape_cast %slice3A_15 : vector<64x32x256xf32> to vector<1x64x32x256xf32>
    tpu.vector_store %arg4[%swap3A_16, %swap3A_17, %swap3A_18, %swap3A_19], %swap3A_22 {strides = array<i32>} : memref<1x67x32x256xf32, #tpu.memory_space<vmem>>, vector<1x64x32x256xf32>,
    return
  }
  func.func @transform_0(%arg0: i32, %arg1: i32) -> (i32, i32) {
    %mul3A = arith.constant 8 : i32
    %mul3A_0 = arith.muli %arg0, %mul3A : i32
    %add3A = arith.addi %mul3A_0, %arg1 : i32
    %c0_i32 = arith.constant 0 : i32
    %c0_i32_1 = arith.constant 0 : i32
    return %add3A, %c0_i32 : i32, i32
  }
  func.func @transform_1(%arg0: i32, %arg1: i32) -> (i32, i32, i32) {
    %c0_i32 = arith.constant 0 : i32
    %c0_i32_0 = arith.constant 0 : i32
    return %arg0, %c0_i32, %arg1 : i32, i32, i32
  }
  func.func @transform_2(%arg0: i32, %arg1: i32) -> (i32, i32, i32, i32) {
    %c0_i32 = arith.constant 0 : i32
    %c0_i32_0 = arith.constant 0 : i32
    %c0_i32_1 = arith.constant 0 : i32
    return %arg0, %c0_i32, %c0_i32_0, %arg1 : i32, i32, i32, i32
  }
}

</mosaic_0001>

<sc_bundles>
// kernel: kernel.4.cloned.1.call-start
scs
__scs_entry_jumppad:
0x0: {  	(pc) =	sbr.rel $0x88, $3  }
0x1: {  	(tag) =	ssettag $0x0;
	lr =	simm.s32 $0x1  }
0x2: {  	[smem:$0x3F9E] =	sst lr;
	_ =	strace $0xD0000000  }
0x3: {  	_ = 	snop  }
0x4: {  	_ = 	snop  }
0x5: {  	_ = 	snop  }
0x6: {  	_ = 	snop  }
0x7: {  	_ = 	snop  }
__scs_overlays_trampoline_lowered:
0x8: {  	[smem:$0x3FAD] =	sst s0  }
0x9: {  	[smem:$0x3FAE] =	sst s1  }
0xa: {  	[smem:$0x3FAF] =	sst s2  }
0xb: {  	[smem:$0x3FB0] =	sst s3  }
0xc: {  	[smem:$0x3FB1] =	sst s4  }
0xd: {  	[smem:$0x3FB2] =	sst s5  }
0xe: {  	[smem:$0x3FB3] =	sst s6  }
0xf: {  	[smem:$0x3FB4] =	sst s7  }
0x10: {  	[smem:$0x3FB5] =	sst s8  }
0x11: {  	[smem:$0x3FB6] =	sst s9;
	s0 =	simm.s32 @!p0 $0x0  }
0x12: {  	s1 =	sld [smem:$0x3F9C];
	s0 =	simm.s32 @p0 $0x1  }
0x13: {  	[smem:$0x3FB7] =	sst s0;
	s0 =	simm.s32 @!p1 $0x0  }
0x14: {  	s2 =	sld [smem:$0x3F9B];
	s0 =	simm.s32 @p1 $0x1  }
0x15: {  	[smem:$0x3FB8] =	sst s0;
	s0 =	simm.s32 @!p2 $0x0  }
0x16: {  	s3 =	sld [smem:$0x3FDB];
	s0 =	simm.s32 @p2 $0x1  }
0x17: {  	s4 =	simm.s32 $0x1BF5;
	[smem:$0x3FBA] =	sst s0  }
0x18: {  	s0 =	sld [smem:$0x3F9D];
	_ =	swait.ge [sflag:s4], $0x0  }
0x19: {  	s7 =	sld [smem:$0x3F9E]  }
0x1a: {  	s8 =	sadd.s32 $0xFFFFE003, lr  }
0x1b: {  	s9 =	sadd.s32 $0xFFFFFEF7, lr;
	s5 =	simm.s32 $0xFFFFFFFF;
	p2 =	slt.u32 s8, $0xFFFFF086  }
0x1c: {  	p1 =	slt.u32 s9, $0xF7A;
	s5 =	simm.s32 @!p2 $0x0  }
0x1d: {  	s5 =	simm.s32 @p1 $0x1;
	p0 =	seq.s32 s7, s2  }
0x1e: {  	s7 =	smul.u32 @!p0 $0xF7A, s2;
	p2 =	seq.s32 @!p0 s5, $0x0  }
0x1f: {  	s9 =	smul.u32 $0xF7A, s1;
	s8 =	simm.s32 @!p0 $0x1BF5;
	p2 =	por !p2, p0  }
0x20: {  	[sflag:s8] =	ssyncset.s32 @!p0 $0xFFFFF086;
	s6 =	sadd.s32 @!p0 s3, s7;
	s7 =	simm.s32 @!p0 $0x108  }
0x21: {  	s3 =	sadd.s32 s3, s9;
	s6 =	sadd.s32 @!p0 $0x88, s6;
	s7 =	simm.s32 @p2 $0x1082  }
0x22: {  	[simem:s7], [sflag:s8] =	dma.local @!p0 [hbm:s6], $0xF7A  }
0x23: {  	s9 =	sor.u32 $0xD0000000, s2;
	s6 =	simm.s32 $0x108;
	_ =	swait.ge @!p0 [sflag:s8], $0x0  }
0x24: {  	s3 =	sadd.s32 $0x88, s3;
	s6 =	simm.s32 @!p1 $0x1082;
	[sflag:s4] =	ssyncset.s32 $0xFFFFF086  }
0x25: {  	[simem:s6], [sflag:s4] =	dma.local [hbm:s3], $0xF7A  }
0x26: {  	[smem:$0x3F9E] =	sst s1;
	(tag) =	ssettag s2;
	_ =	strace s9  }
0x27: {  	s1 =	sld [smem:$0x3FAE]  }
0x28: {  	s2 =	sld [smem:$0x3FAF]  }
0x29: {  	s4 =	sld [smem:$0x3FB1]  }
0x2a: {  	p0 =	seq.s32 s5, $0x0;
	s5 =	sld [smem:$0x3FB2]  }
0x2b: {  	s6 =	sld [smem:$0x3FB3]  }
0x2c: {  	s7 =	sld [smem:$0x3FB4]  }
0x2d: {  	s3 =	simm.s32 $0x108;
	s8 =	sld [smem:$0x3FB5]  }
0x2e: {  	s3 =	simm.s32 @!p0 $0x1082;
	s9 =	sld [smem:$0x3FB6]  }
0x2f: {  	lr =	sadd.s32 s0, s3;
	s0 =	sld [smem:$0x3FAD]  }
0x30: {  	s3 =	sld [smem:$0x3FB0]  }
0x31: {  	[smem:$0x3FB9] =	sst s10  }
0x32: {  	s10 =	sld [smem:$0x3FB7];
	_ =	sdelay $0x3  }
0x33: {  	p0 =	seq.s32 s10, $0x1;
	s10 =	sld [smem:$0x3FB9];
	_ =	sdelay $0x3  }
0x34: {  	[smem:$0x3FB9] =	sst s10  }
0x35: {  	s10 =	sld [smem:$0x3FB8];
	_ =	sdelay $0x3  }
0x36: {  	p1 =	seq.s32 s10, $0x1;
	s10 =	sld [smem:$0x3FB9];
	_ =	sdelay $0x3  }
0x37: {  	[smem:$0x3FB9] =	sst s10  }
0x38: {  	s10 =	sld [smem:$0x3FBA]  }
0x39: {  	_ = 	snop;
	(pc) =	sbr.ind lr, $3  }
0x3a: {  	_ = 	snop  }
0x3b: {  	_ = 	snop  }
0x3c: {  	p2 =	seq.s32 s10, $0x1;
	s10 =	sld [smem:$0x3FB9]  }
0x3d: {  	_ =	shalt  }
0x3e: {  	_ =	shalt  }
0x3f: {  	_ =	shalt  }
0x40: {  	_ =	shalt  }
0x41: {  	_ =	shalt  }
0x42: {  	_ =	shalt  }
0x43: {  	_ =	shalt  }
0x44: {  	_ =	shalt  }
0x45: {  	_ =	shalt  }
0x46: {  	_ =	shalt  }
0x47: {  	_ =	shalt  }
0x48: {  	_ =	shalt  }
0x49: {  	_ =	shalt  }
0x4a: {  	_ =	shalt  }
0x4b: {  	_ =	shalt  }
0x4c: {  	_ =	shalt  }
0x4d: {  	_ =	shalt  }
0x4e: {  	_ =	shalt  }
0x4f: {  	_ =	shalt  }
0x50: {  	_ =	shalt  }
0x51: {  	_ =	shalt  }
0x52: {  	_ =	shalt  }
0x53: {  	_ =	shalt  }
0x54: {  	_ =	shalt  }
0x55: {  	_ =	shalt  }
0x56: {  	_ =	shalt  }
0x57: {  	_ =	shalt  }
0x58: {  	_ =	shalt  }
0x59: {  	_ =	shalt  }
0x5a: {  	_ =	shalt  }
0x5b: {  	_ =	shalt  }
0x5c: {  	_ =	shalt  }
0x5d: {  	_ =	shalt  }
0x5e: {  	_ =	shalt  }
0x5f: {  	_ =	shalt  }
0x60: {  	_ =	shalt  }
0x61: {  	_ =	shalt  }
0x62: {  	_ =	shalt  }
0x63: {  	_ =	shalt  }
0x64: {  	_ =	shalt  }
0x65: {  	_ =	shalt  }
0x66: {  	_ =	shalt  }
0x67: {  	_ =	shalt  }
0x68: {  	_ =	shalt  }
0x69: {  	_ =	shalt  }
0x6a: {  	_ =	shalt  }
0x6b: {  	_ =	shalt  }
0x6c: {  	_ =	shalt  }
0x6d: {  	_ =	shalt  }
0x6e: {  	_ =	shalt  }
0x6f: {  	_ =	shalt  }
0x70: {  	_ =	shalt  }
0x71: {  	_ =	shalt  }
0x72: {  	_ =	shalt  }
0x73: {  	_ =	shalt  }
0x74: {  	_ =	shalt  }
0x75: {  	_ =	shalt  }
0x76: {  	_ =	shalt  }
0x77: {  	_ =	shalt  }
0x78: {  	_ =	shalt  }
0x79: {  	_ =	shalt  }
0x7a: {  	_ =	shalt  }
0x7b: {  	_ =	shalt  }
0x7c: {  	_ =	shalt  }
0x7d: {  	_ =	shalt  }
0x7e: {  	_ =	shalt  }
0x7f: {  	_ =	shalt  }
0x80: {  	_ =	shalt  }
0x81: {  	_ =	shalt  }
0x82: {  	_ =	shalt  }
0x83: {  	_ =	shalt  }
0x84: {  	_ =	shalt  }
0x85: {  	_ =	shalt  }
0x86: {  	_ =	shalt  }
0x87: {  	_ =	shalt  }
.Lfunc_end0:
.L_simem_size_0:
called_computation_lowered:
.L_overlay_start_0:
0x88: {  	s2 =	sld [smem:$0x3FD9]  }
0x89: {  	s3 =	sld [smem:$0x3FFE];
	_ =	sdelay $0x1  }
0x8a: {  	s1 =	srdreg.scid  }
0x8b: {  	s0 =	sand.u32 $0x1, s1  }
0x8c: {  	s17 =	sshll.u32 s0, $0xA;
	s2 =	sadd.s32 s3, s2  }
0x8d: {  	s2 =	sadd.s32 s2, s17  }
0x8e: {  	[smem:$0x3FC5] =	sst s2  }
0x8f: {  	_ = 	snop  }
0x90: {  	s2 =	sld [smem:$0x3FD0];
	(tm) =	ssettm $0x1  }
0x91: {  	s18 =	sld [smem:$0x3FFB];
	_ =	sdelay $0x3  }
0x92: {  	_ =	strace s18  }
0x93: {  	s3 =	sld [smem:$0x3FFC];
	_ =	sdelay $0x3  }
0x94: {  	_ =	strace s3  }
0x95: {  	s3 =	sld [smem:$0x3FFD];
	_ =	sdelay $0x3  }
0x96: {  	_ =	strace s3  }
0x97: {  	_ =	strace $0x8FFFFFFF  }
0x98: {  	s19 =	sld [smem:$0x3FDB];
	_ =	sdelay $0x1  }
0x99: {  	s4 =	simm.s32 $_scs_section_size  }
0x9a: {  	s5 =	simm.s32 $_size__tile_overlayer_lowered;
	s6 =	simm.s32 $_tile_overlayer_lowered  }
0x9b: {  	s22 =	simm.s32 $0x1BFF;
	s21 =	sshll.u32 s6, $0x1;
	s3 =	sadd.s32 s4, s19  }
0x9c: {  	s7 =	simm.s32 $0x0;
	s20 =	sshll.u32 s5, $0x1;
	s5 =	sadd.s32 s21, s3  }
0x9d: {  	[timem:s7], [sflag:s22] =	dma.local [hbm:s5], s20  }
0x9e: {  	_ =	swait.ge [sflag:s22], s20  }
0x9f: {  	s4 =	ssub.s32 $0x0, s20;
	[sflag:s22] =	ssyncset.done $0x0  }
0xa0: {  	[sflag:s22] =	ssyncadd.s32 s4;
	_ =	sdelay $0x1  }
0xa1: {  	s23 =	simm.s32 $0x1B8B  }
0xa2: {  	_ =	swait.ge [sflag:s23], $0x1  }
0xa3: {  	[sflag:s23] =	ssyncset.done $0x0  }
0xa4: {  	s25 =	simm.s32 $0x1B8E;
	s24 =	sld [smem:$0x3FFE];
	[sflag:s23] =	ssyncadd.s32 $0xFFFFFFFF  }
0xa5: {  	s26 =	simm.s32 $execute0_lowered;
	[smem:$0x3FD2] =	sst s25  }
0xa6: {  	s5 =	sshll.u32 s26, $0x1;
	_ =	strace $0x80000046;
	[dreg:$0x1] =	wrdreg $0xFFFFFFFF  }
0xa7: {  	s28 =	simm.s32 $_size_execute0_lowered;
	s3 =	sadd.s32 s3, s5;
	[dreg:$0x0] =	wrdreg $0x0  }
0xa8: {  	s5 =	sshll.u32 s28, $0x1;
	[dreg:$0x2] =	wrdreg s3  }
0xa9: {  	[dreg:$0x3] =	wrdreg s5  }
0xaa: {  	[dreg:$0x4] =	wrdreg $0xC0  }
0xab: {  	_ =	task [dreg:s7], $0x5FFFF  }
0xac: {  	[dreg:$0x1] =	wrdreg $0xFFFFFFFF  }
0xad: {  	[dreg:$0x0] =	wrdreg $0x60  }
0xae: {  	[dreg:$0x2] =	wrdreg s24  }
0xaf: {  	[dreg:$0x3] =	wrdreg s2  }
0xb0: {  	[dreg:$0x4] =	wrdreg $0x9  }
0xb1: {  	_ =	task.clear_ibuf [dreg:s7], $0x5FFFF;
	_ =	strace $0x90000046  }
0xb2: {  	s29 =	simm.s32 $0x9;
	_ =	strace $0x80000048  }
0xb3: {  	_ =	swait.ge [sflag:s29], $0x1  }
0xb4: {  	[sflag:s29] =	ssyncadd.s32 $0xFFFFFFFF  }
0xb5: {  	_ =	strace $0x90000048  }
0xb6: {  	_ =	sfence  }
0xb7: {  	s30 =	sld [smem:$0x0];
	_ =	sdelay $0x2  }
0xb8: {  	s31 =	sshll.u32 s1, $0xD;
	s1 =	sshrl.u32 s1, $0x2  }
0xb9: {  	s3 =	sand.u32 $0x4000, s31;
	s1 =	sadd.s32 s1, s30  }
0xba: {  	s0 =	sor.u32 s3, s0;
	s1 =	sshll.u32 s1, $0x11  }
0xbb: {  	s0 =	sor.u32 s1, s0  }
0xbc: {  	s0 =	sadd.s32 $0x8F2B, s0  }
0xbd: {  	[sflag:s0] =	ssyncadd.remote.s32 $0x1  }
0xbe: {  	_ =	sfence.sel $0xFFFF  }
0xbf: {  	[dreg:$0x0] =	wrdreg $0xFFFFFFFF;
	(pc) =	sbr.abs _section_cstart, $3  }
0xc0: {  	[dreg:$0x1] =	wrdreg $0xFFFFFFFF  }
0xc1: {  	_ =	task.clear_ibuf [dreg:s7], $0x2FFFF;
	_ =	strace $0x9FFFFFFF  }
0xc2: {  	(tm) =	ssettm $0x7FFFFFFF  }
0xc3: {  	_ =	shalt  }
tec
execute0_lowered:
.L_overlay_start_1:
0x0: {  	(tag) =	ssettag $0x1  }
0x1: {  	s0 =	rddreg [dreg:$0x0]  }
0x2: {  	s2 =	rddreg [dreg:$0x1];
	s3 =	simm.s32 $0x0  }
0x3: {  	s1 =	stileid.u32;
	s5 =	srdreg.scid;
	s12 =	simm.s32 $0x40  }
0x4: {  	s14 =	simm.s32 $0x11880;
	s31 =	simm.s32 $0x15880;
	s16 =	simm.s32 $0x13880  }
0x5: {  	s17 =	simm.s32 $0x1;
	s18 =	simm.s32 $0x17880;
	s19 =	simm.s32 $0x2  }
0x6: {  	s20 =	simm.s32 $0x4;
	s21 =	simm.s32 $0x5;
	s22 =	simm.s32 $0x6  }
0x7: {  	[smem:$0x7FF] =	sst s3;
	s7 =	sshrl.u32 s1, $0x2;
	s8 =	sand.u32 $0x1, s5  }
0x8: {  	s9 =	sshll.u32 s1, $0x1;
	s29 =	sand.u32 $0x3, s1;
	s4 =	smul.u32 $0xC00, s7  }
0x9: {  	_ =	strace $0x80000047;
	s6 =	smul.u32 $0x300, s7;
	s25 =	ssub.s32 $0x2, s8  }
0xa: {  	s9 =	sand.u32 $0x6, s9;
	s11 =	sshll.u32 s7, $0x14;
	s23 =	sshll.u32 s7, $0xD  }
0xb: {  	[dreg:$0x3] =	wrdreg s31;
	s10 =	sshrl.u32 s25, $0x1;
	s9 =	sor.u32 s8, s9  }
0xc: {  	s8 =	sshll.u32 s8, $0x11;
	v0 =	vmov s23;
	s23 =	simm.s32 $0x7;
	s24 =	sadd.s32 s4, s0  }
0xd: {  	s6 =	sadd.s32 s6, s0;
	s0 =	sadd.s32 $0x5400, s0;
	s10 =	ssub.s32 s25, s10  }
0xe: {  	s4 =	sshll.u32 s9, $0x8;
	s9 =	sshll.u32 s9, $0x11;
	s25 =	simm.s32 $0x0  }
0xf: {  	s9 =	sor.u32 s11, s9;
	s5 =	sadd.s32 $0x2400, s24;
	s26 =	sadd.s32 $0x1800, s6  }
0x10: {  	s30 =	smax.u32 s10, $0x1;
	s10 =	simm.s32 $0xE000;
	[dreg:$0x5] =	wrdreg s5  }
0x11: {  	s24 =	simm.s32 $0x8;
	[dreg:$0x6] =	wrdreg s26;
	s28 =	sadd.s32 s9, s0  }
0x12: {  	s0 =	sadd.s32 s11, s0;
	s9 =	sshll.u32 s29, $0x12;
	[dreg:$0x7] =	wrdreg s30  }
0x13: {  	s11 =	simm.s32 $0xF800;
	s7 =	sadd.s32 $0x1F800, s28;
	s0 =	sadd.s32 s9, s0  }
0x14: {  	v1 =	vimm.s32 $0x0;
	v2 =	vlaneseq.u32;
	s9 =	simm.s32 $0x9;
	[dreg:$0x4] =	wrdreg s7;
	s8 =	sadd.s32 s8, s0  }
.LBB2_1:
0x15: {  	s0 =	rddreg [dreg:$0x5]  }
0x16: {  	[tilespmem:s3], [sflag:$0x9] =	stream.linear.gather [hbm4b:s0+s3], $0x6000, $0x38;
	[tilespmem:$0x19880] =	vst v63  }
0x17: {  	_ =	swait.ge [sflag:s9], $0x6000  }
0x18: {  	[sflag:s9] =	ssyncset.done $0x0  }
0x19: {  	s31 =	rddreg [dreg:$0x6];
	[sflag:s9] =	ssyncadd.s32 $0xFFFFA000  }
0x1a: {  	[tilespmem:s10], [sflag:$0x9] =	stream.linear.gather [hbm4b:s31+s3], $0x1800, $0x38;
	[tilespmem:$0x19880] =	vst v63  }
0x1b: {  	_ =	swait.ge [sflag:s9], $0x1800  }
0x1c: {  	[sflag:s9] =	ssyncset.done $0x0  }
0x1d: {  	s26 =	simm.s32 $0x0;
	[sflag:s9] =	ssyncadd.s32 $0xFFFFE800  }
0x1e: {  	v3 =	vld [tilespmem:s26+$0x0]  }
0x1f: {  	v4 =	vld [tilespmem:s26+$0x2000]  }
0x20: {  	v7 =	vld [tilespmem:s26+$0x4000];
	_ =	sdelay $0x3  }
0x21: {  	s0 =	simm.s32 $0x10;
	v6 =	vmul.f32 v3, v3;
	v8 =	vmul.f32 v4, v4;
	v9 =	vshrl.u32 v3, $0x10  }
0x22: {  	v5 =	vld [tilespmem:s0+$0x0];
	v10 =	vshrl.u32 v4, $0x10;
	v11 =	vmul.f32 v7, v7;
	v12 =	vshrl.u32 v7, $0x10  }
0x23: {  	v9 =	vand.u32 $0x1, v9;
	v10 =	vand.u32 $0x1, v10;
	v8 =	vadd.f32 v8, v6;
	v6 =	vld [tilespmem:s0+$0x2000]  }
0x24: {  	v9 =	vadd.s32 v9, v3;
	v4 =	vadd.s32 v10, v4;
	v10 =	vand.u32 $0x1, v12  }
0x25: {  	v3 =	vld [tilespmem:s0+$0x4000];
	v9 =	vadd.s32 $0x7FFF, v9;
	v7 =	vadd.s32 v10, v7  }
0x26: {  	v4 =	vadd.s32 $0x7FFF, v4;
	v8 =	vadd.f32 v11, v8;
	v9 =	vand.u32 $0xFFFF0000, v9  }
0x27: {  	v10 =	vshrl.u32 v5, $0x10;
	v7 =	vadd.s32 $0x7FFF, v7;
	v63 =	vand.u32 $0xFFFF0000, v4;
	[tilespmem:s26+$0x6000] =	vst v9  }
0x28: {  	s28 =	simm.s32 $0x20;
	[tilespmem:s26+$0xC000] =	vst v8;
	v8 =	vmul.f32 v5, v5;
	v9 =	vshrl.u32 v6, $0x10;
	v11 =	vmul.f32 v6, v6  }
0x29: {  	s29 =	simm.s32 $0xC0;
	v10 =	vand.u32 $0x1, v10;
	v7 =	vand.u32 $0xFFFF0000, v7;
	v4 =	vld [tilespmem:s28+$0x0];
	[tilespmem:s26+$0x8000] =	vst v63;
	v9 =	vand.u32 $0x1, v9  }
.LBB2_2:
0x2a: {  	p0 =	sne.s32 s29, $0x7FC0;
	v12 =	vld [tilespmem:s28+$0x2000];
	v8 =	vadd.f32 v11, v8;
	v11 =	vmul.f32 v3, v3;
	v13 =	vshrl.u32 v3, $0x10;
	[tilespmem:s26+$0xA000] =	vst v7;
	s26 =	smov.u32 s0;
	s0 =	smov.u32 s28  }
0x2b: {  	v5 =	vadd.s32 v10, v5;
	v6 =	vadd.s32 v9, v6;
	v7 =	vand.u32 $0x1, v13  }
.Ltmp0:
0x2c: {  	v14 =	vadd.s32 $0x7FFF, v5;
	v8 =	vadd.f32 v11, v8;
	v7 =	vadd.s32 v7, v3;
	v3 =	vld [tilespmem:s0+$0x4000];
	(pc) =	sbr.rel @p0 .LBB2_2-.Ltmp0, $4  }
0x2d: {  	v9 =	vand.u32 $0xFFFF0000, v14;
	v11 =	vadd.s32 $0x7FFF, v6;
	v15 =	vadd.s32 $0x7FFF, v7  }
0x2e: {  	v13 =	vand.u32 $0xFFFF0000, v11;
	v10 =	vshrl.u32 v4, $0x10;
	[tilespmem:s26+$0xC000] =	vst v8;
	v7 =	vand.u32 $0xFFFF0000, v15;
	v5 =	vmovc v4  }
0x2f: {  	s28 =	sshra.s32 s29, $0x2;
	v8 =	vmul.f32 v4, v5;
	v11 =	vmul.f32 v12, v12;
	v14 =	vshrl.u32 v12, $0x10;
	[tilespmem:s26+$0x6000] =	vst v9;
	v6 =	vmovc v12  }
0x30: {  	s29 =	sadd.s32 $0x40, s29;
	v10 =	vand.u32 $0x1, v10;
	v4 =	vld [tilespmem:s28+$0x0];
	v9 =	vand.u32 $0x1, v14;
	[tilespmem:s26+$0x8000] =	vst v13  }
0x31: {  	v12 =	vld [tilespmem:s28+$0x2000];
	v8 =	vadd.f32 v11, v8;
	[tilespmem:s26+$0xA000] =	vst v7;
	v49 =	vmul.f32 v3, v3  }
0x32: {  	v50 =	vshrl.u32 v3, $0x10;
	v5 =	vadd.s32 v10, v5;
	v6 =	vadd.s32 v9, v6;
	v51 =	vld [tilespmem:s28+$0x4000]  }
0x33: {  	v52 =	vand.u32 $0x1, v50;
	v5 =	vadd.s32 $0x7FFF, v5;
	v6 =	vadd.s32 $0x7FFF, v6  }
0x34: {  	v7 =	vadd.f32 v49, v8;
	v3 =	vadd.s32 v52, v3;
	v5 =	vand.u32 $0xFFFF0000, v5  }
0x35: {  	v6 =	vand.u32 $0xFFFF0000, v6;
	v3 =	vadd.s32 $0x7FFF, v3;
	v53 =	vmul.f32 v4, v4  }
0x36: {  	v55 =	vshrl.u32 v4, $0x10;
	v3 =	vand.u32 $0xFFFF0000, v3;
	v54 =	vmul.f32 v12, v12  }
0x37: {  	[tilespmem:s0+$0x6000] =	vst v5;
	v56 =	vshrl.u32 v12, $0x10;
	v58 =	vand.u32 $0x1, v55;
	v57 =	vmul.f32 v51, v51  }
0x38: {  	[tilespmem:s0+$0xC000] =	vst v7;
	v7 =	vand.u32 $0x1, v56;
	v59 =	vshrl.u32 v51, $0x10;
	v60 =	vadd.s32 v58, v4  }
0x39: {  	[tilespmem:s0+$0xA000] =	vst v3;
	v8 =	vadd.f32 v54, v53;
	v3 =	vadd.s32 v7, v12;
	v4 =	vadd.s32 $0x7FFF, v60  }
.Ltmp1:
0x3a: {  	[tilespmem:s0+$0x8000] =	vst v6;
	v6 =	vand.u32 $0x1, v59;
	v4 =	vand.u32 $0xFFFF0000, v4;
	v3 =	vadd.s32 $0x7FFF, v3;
	(pc) =	sbr.rel .LBB2_4-.Ltmp1, $4  }
0x3b: {  	v6 =	vadd.s32 v6, v51;
	v61 =	vadd.f32 v57, v8;
	v3 =	vand.u32 $0xFFFF0000, v3;
	[tilespmem:s28+$0x6000] =	vst v4  }
0x3c: {  	v62 =	vadd.s32 $0x7FFF, v6;
	[tilespmem:s28+$0x8000] =	vst v3  }
0x3d: {  	v63 =	vand.u32 $0xFFFF0000, v62;
	[tilespmem:s28+$0xC000] =	vst v61  }
0x3e: {  	s26 =	simm.s32 $0x0;
	[tilespmem:s28+$0xA000] =	vst v63  }
.LBB2_8:
0x3f: {  	v3 =	vld [tilespmem:$0xF800];
	_ =	sdelay $0x4  }
0x40: {  	vm0 =	vgt.s32 v7, v2;
	v4 =	vxor.u32 $0x80000000, v3  }
0x41: {  	v4 =	vnsel vm0, $0x80002000, v4  }
0x42: {  	(xrf0) =	vmin.scan.msk.u32 $0xffff, v4;
	_ =	sdelay $0x5  }
0x43: {  	v4, _, _ =	vpop (xrf0)  }
0x44: {  	(v2sf) =	vpush v4, $0xF;
	_ =	sdelay $0xe  }
0x45: {  	s0 =	spop (v2sf)  }
0x46: {  	s0 =	sxor.u32 $0x80000000, s0  }
0x47: {  	vm1 =	vgt.s32 v7, $0x0;
	v63 =	vmov s0  }
0x48: {  	v4 =	vnsel vm1, $0x0, v63  }
0x49: {  	s31 =	sshll.u32 s26, $0x5;
	v3 =	vsel vm0, v3, v4  }
0x4a: {  	s0 =	sand.u32 $0x3FFFFFE0, s31;
	v3 =	vadd.s32 v0, v3  }
0x4b: {  	[tilespmem:s0+$0xF880] =	vst v3  }
0x4c: {  	v3 =	vld [tilespmem:$0xF810]  }
0x4d: {  	s26 =	sadd.s32 $0x1, s26  }
0x4e: {  	p0 =	sne.s32 s26, $0x100  }
.Ltmp2:
0x4f: {  	v5 =	vor.u32 $0x10, v2;
	(pc) =	sbr.rel @!p0 .LBB2_9-.Ltmp2, $4  }
0x50: {  	vm15 =	vgt.s32 v7, v5  }
0x51: {  	v3 =	vsel vm15, v3, v4  }
0x52: {  	v3 =	vadd.s32 v0, v3  }
0x53: {  	[tilespmem:s0+$0xF890] =	vst v3  }
.LBB2_4:
0x54: {  	s0 =	sadd.s32 s4, s26  }
0x55: {  	v3 =	vmov s0  }
0x56: {  	v4 =	vor.u32 $0x800, v3;
	_ =	sdelay $0x1  }
0x57: {  	v5 =	vor.u32 $0x1000, v3;
	_ =	sdelay $0x1  }
0x58: {  	v6 =	vld.idx.msk [tilespmem:v3+s10+$0x0], $0xffff  }
0x59: {  	v4 =	vld.idx.msk [tilespmem:v4+s10+$0x0], $0xffff;
	_ =	sdelay $0x1  }
0x5a: {  	v5 =	vld.idx.msk [tilespmem:v5+s10+$0x0], $0xffff;
	_ =	sdelay $0x2  }
0x5b: {  	v3 =	vmul.f32 v6, v6;
	v7 =	vmul.f32 v4, v4;
	_ =	sdelay $0x1  }
0x5c: {  	v3 =	vadd.f32 v7, v3;
	v7 =	vmul.f32 v5, v5;
	_ =	sdelay $0x1  }
0x5d: {  	v3 =	vadd.f32 v7, v3;
	v7 =	vshrl.u32 v6, $0x10  }
.Ltmp3:
0x5e: {  	v8 =	vshrl.u32 v4, $0x10;
	v9 =	vshrl.u32 v5, $0x10;
	v7 =	vand.u32 $0x1, v7;
	(pc) =	sbr.rel .LBB2_5-.Ltmp3, $4  }
0x5f: {  	v6 =	vadd.s32 v7, v6;
	v7 =	vand.u32 $0x1, v8;
	v8 =	vand.u32 $0x1, v9  }
0x60: {  	v7 =	vadd.s32 v7, v4;
	v4 =	vadd.s32 $0x7FFF, v6;
	v5 =	vadd.s32 v8, v5  }
0x61: {  	v4 =	vand.u32 $0xFFFF0000, v4;
	v6 =	vadd.s32 $0x7FFF, v7;
	v7 =	vadd.s32 $0x7FFF, v5  }
0x62: {  	s28 =	simm.s32 $0xF0;
	s29 =	simm.s32 $0x0;
	v5 =	vand.u32 $0xFFFF0000, v6;
	v6 =	vand.u32 $0xFFFF0000, v7;
	v7 =	vimm.s32 $0x0  }
.LBB2_7:
0x63: {  	s29 =	sadd.s32 $0x400, s29  }
0x64: {  	p0 =	sne.s32 s29, $0x8000  }
.Ltmp4:
0x65: {  	_ = 	snop;
	(pc) =	sbr.rel @!p0 .LBB2_8-.Ltmp4, $2  }
0x66: {  	_ =	sdelay $0x2  }
0x67: {  	s28 =	sadd.s32 $0x100, s28  }
.LBB2_5:
0x68: {  	(v2sf) =	vpush v7, $0x0;
	_ =	sdelay $0xe  }
0x69: {  	s0 =	spop (v2sf)  }
0x6a: {  	p0 =	sgt.s32 s0, $0x1F  }
.Ltmp5:
0x6b: {  	_ = 	snop;
	(pc) =	sbr.rel @p0 .LBB2_7-.Ltmp5, $1  }
0x6c: {  	_ =	sdelay $0x3  }
0x6d: {  	s30 =	sshra.s32 s29, $0x2  }
0x6e: {  	v8 =	vld [tilespmem:s30+$0x6000]  }
0x6f: {  	v9 =	vld [tilespmem:s30+$0x8000];
	_ =	sdelay $0x1  }
0x70: {  	v10 =	vld [tilespmem:s30+$0xA000];
	_ =	sdelay $0x2  }
0x71: {  	v8 =	vmul.f32 v4, v8;
	v9 =	vmul.f32 v5, v9  }
0x72: {  	v11 =	vld [tilespmem:s30+$0xC000]  }
0x73: {  	v37 =	vmul.f32 v6, v10;
	v8 =	vadd.f32 v9, v8;
	_ =	sdelay $0x1  }
0x74: {  	v8 =	vadd.f32 v37, v8;
	_ =	sdelay $0x1  }
0x75: {  	v38 =	vadd.f32 v11, v3;
	v8 =	vadd.f32 v8, v8;
	_ =	sdelay $0x1  }
0x76: {  	v8 =	vsub.f32 v38, v8;
	_ =	sdelay $0x1  }
0x77: {  	vm0 =	vlt.f32 v8, $3.999999910e-02  }
0x78: {  	v8 =	vsel vm0, $0x1, v1  }
0x79: {  	(xrf0) =	vadd.scan.msk.s32 $0xffff, v8;
	_ =	sdelay $0x5  }
0x7a: {  	v8, _, _ =	vpop (xrf0)  }
0x7b: {  	v8 =	vadd.s32 v8, v7  }
0x7c: {  	v8 =	vadd.s32 $0xFFFFFFFF, v8  }
0x7d: {  	vm1 =	vgt.s32 v8, $0x0;
	vm2 =	vlt.s32 v8, $0x20  }
0x7e: {  	v8 =	vnsel vm1, $0x0, v8;
	vm15 =	vmand vm0, vm2  }
0x7f: {  	v8 =	vmin.u32 v8, $0x1F;
	_ =	sdelay $0x2  }
0x80: {  	s0 =	sadd.s32 $0xFFFFFF10, s28  }
0x81: {  	v39 =	vor.u32 s0, v2  }
0x82: {  	[tilespmem:v8+s11+$0x0] =	vst.idx.msk vm15, v39  }
0x83: {  	v8 =	vld [tilespmem:s30+$0x6010]  }
0x84: {  	v9 =	vld [tilespmem:s30+$0x8010];
	_ =	sdelay $0x1  }
0x85: {  	v40 =	vld [tilespmem:s30+$0xA010];
	_ =	sdelay $0x2  }
0x86: {  	v8 =	vmul.f32 v4, v8;
	v9 =	vmul.f32 v5, v9  }
0x87: {  	v41 =	vld [tilespmem:s30+$0xC010]  }
0x88: {  	v42 =	vmul.f32 v6, v40;
	v8 =	vadd.f32 v9, v8;
	_ =	sdelay $0x1  }
0x89: {  	v8 =	vadd.f32 v42, v8;
	_ =	sdelay $0x1  }
0x8a: {  	v43 =	vadd.f32 v41, v3;
	v8 =	vadd.f32 v8, v8;
	_ =	sdelay $0x1  }
0x8b: {  	v8 =	vsub.f32 v43, v8;
	_ =	sdelay $0x1  }
0x8c: {  	vm4 =	vlt.f32 v8, $3.999999910e-02  }
0x8d: {  	v8 =	vsel vm4, $0x1, v1  }
0x8e: {  	(xrf0) =	vadd.scan.msk.s32 $0xffff, v8;
	_ =	sdelay $0x1  }
0x8f: {  	v8 =	vmpcnt.ones.xlane vm0;
	_ =	sdelay $0x3  }
0x90: {  	v7 =	vadd.s32 v7, v8;
	v8, _, _ =	vpop (xrf0)  }
0x91: {  	v8 =	vadd.s32 v8, v7  }
0x92: {  	v8 =	vadd.s32 $0xFFFFFFFF, v8  }
0x93: {  	vm5 =	vgt.s32 v8, $0x0;
	vm6 =	vlt.s32 v8, $0x20  }
0x94: {  	v8 =	vnsel vm5, $0x0, v8;
	vm7 =	vmand vm4, vm6  }
0x95: {  	v8 =	vmin.u32 v8, $0x1F;
	_ =	sdelay $0x2  }
0x96: {  	s1 =	sadd.s32 $0xFFFFFF20, s28  }
0x97: {  	v44 =	vor.u32 s1, v2  }
0x98: {  	[tilespmem:v8+s11+$0x0] =	vst.idx.msk vm7, v44  }
0x99: {  	v8 =	vld [tilespmem:s30+$0x6020]  }
0x9a: {  	v9 =	vld [tilespmem:s30+$0x8020];
	_ =	sdelay $0x1  }
0x9b: {  	v45 =	vld [tilespmem:s30+$0xA020];
	_ =	sdelay $0x2  }
0x9c: {  	v8 =	vmul.f32 v4, v8;
	v9 =	vmul.f32 v5, v9  }
0x9d: {  	v46 =	vld [tilespmem:s30+$0xC020]  }
0x9e: {  	v47 =	vmul.f32 v6, v45;
	v8 =	vadd.f32 v9, v8;
	_ =	sdelay $0x1  }
0x9f: {  	v8 =	vadd.f32 v47, v8;
	_ =	sdelay $0x1  }
0xa0: {  	v48 =	vadd.f32 v46, v3;
	v8 =	vadd.f32 v8, v8;
	_ =	sdelay $0x1  }
0xa1: {  	v8 =	vsub.f32 v48, v8;
	_ =	sdelay $0x1  }
0xa2: {  	vm8 =	vlt.f32 v8, $3.999999910e-02  }
0xa3: {  	v8 =	vsel vm8, $0x1, v1  }
0xa4: {  	(xrf0) =	vadd.scan.msk.s32 $0xffff, v8;
	_ =	sdelay $0x1  }
0xa5: {  	v8 =	vmpcnt.ones.xlane vm4;
	_ =	sdelay $0x3  }
0xa6: {  	v7 =	vadd.s32 v7, v8;
	v8, _, _ =	vpop (xrf0)  }
0xa7: {  	v8 =	vadd.s32 v8, v7  }
0xa8: {  	v8 =	vadd.s32 $0xFFFFFFFF, v8  }
0xa9: {  	vm9 =	vgt.s32 v8, $0x0;
	vm10 =	vlt.s32 v8, $0x20  }
0xaa: {  	v8 =	vnsel vm9, $0x0, v8;
	vm11 =	vmand vm8, vm10  }
0xab: {  	v8 =	vmin.u32 v8, $0x1F;
	_ =	sdelay $0x2  }
0xac: {  	s5 =	sadd.s32 $0xFFFFFF30, s28  }
0xad: {  	v49 =	vor.u32 s5, v2  }
0xae: {  	[tilespmem:v8+s11+$0x0] =	vst.idx.msk vm11, v49  }
0xaf: {  	v8 =	vld [tilespmem:s30+$0x6030]  }
0xb0: {  	v9 =	vld [tilespmem:s30+$0x8030];
	_ =	sdelay $0x1  }
0xb1: {  	v50 =	vld [tilespmem:s30+$0xA030];
	_ =	sdelay $0x2  }
0xb2: {  	v8 =	vmul.f32 v4, v8;
	v9 =	vmul.f32 v5, v9  }
0xb3: {  	v51 =	vld [tilespmem:s30+$0xC030]  }
0xb4: {  	v52 =	vmul.f32 v6, v50;
	v8 =	vadd.f32 v9, v8;
	_ =	sdelay $0x1  }
0xb5: {  	v8 =	vadd.f32 v52, v8;
	_ =	sdelay $0x1  }
0xb6: {  	v53 =	vadd.f32 v51, v3;
	v8 =	vadd.f32 v8, v8;
	_ =	sdelay $0x1  }
0xb7: {  	v8 =	vsub.f32 v53, v8;
	_ =	sdelay $0x1  }
0xb8: {  	vm12 =	vlt.f32 v8, $3.999999910e-02  }
0xb9: {  	v8 =	vsel vm12, $0x1, v1  }
0xba: {  	(xrf0) =	vadd.scan.msk.s32 $0xffff, v8;
	_ =	sdelay $0x1  }
0xbb: {  	v8 =	vmpcnt.ones.xlane vm8;
	_ =	sdelay $0x3  }
0xbc: {  	v7 =	vadd.s32 v7, v8;
	v8, _, _ =	vpop (xrf0)  }
0xbd: {  	v8 =	vadd.s32 v8, v7  }
0xbe: {  	v8 =	vadd.s32 $0xFFFFFFFF, v8  }
0xbf: {  	vm13 =	vgt.s32 v8, $0x0;
	vm14 =	vlt.s32 v8, $0x20  }
0xc0: {  	v8 =	vnsel vm13, $0x0, v8;
	vm15 =	vmand vm12, vm14  }
0xc1: {  	v8 =	vmin.u32 v8, $0x1F;
	_ =	sdelay $0x2  }
0xc2: {  	s6 =	sadd.s32 $0xFFFFFF40, s28  }
0xc3: {  	v54 =	vor.u32 s6, v2  }
0xc4: {  	[tilespmem:v8+s11+$0x0] =	vst.idx.msk vm15, v54  }
0xc5: {  	v8 =	vld [tilespmem:s30+$0x6040]  }
0xc6: {  	v9 =	vld [tilespmem:s30+$0x8040];
	_ =	sdelay $0x1  }
0xc7: {  	v55 =	vld [tilespmem:s30+$0xA040];
	_ =	sdelay $0x2  }
0xc8: {  	v8 =	vmul.f32 v4, v8;
	v9 =	vmul.f32 v5, v9  }
0xc9: {  	v56 =	vld [tilespmem:s30+$0xC040]  }
0xca: {  	v57 =	vmul.f32 v6, v55;
	v8 =	vadd.f32 v9, v8;
	_ =	sdelay $0x1  }
0xcb: {  	v8 =	vadd.f32 v57, v8;
	_ =	sdelay $0x1  }
0xcc: {  	v58 =	vadd.f32 v56, v3;
	v8 =	vadd.f32 v8, v8;
	_ =	sdelay $0x1  }
0xcd: {  	v8 =	vsub.f32 v58, v8;
	_ =	sdelay $0x1  }
0xce: {  	vm4 =	vlt.f32 v8, $3.999999910e-02  }
0xcf: {  	v8 =	vsel vm4, $0x1, v1  }
0xd0: {  	(xrf0) =	vadd.scan.msk.s32 $0xffff, v8;
	_ =	sdelay $0x1  }
0xd1: {  	v8 =	vmpcnt.ones.xlane vm12;
	_ =	sdelay $0x3  }
0xd2: {  	v7 =	vadd.s32 v7, v8;
	v8, _, _ =	vpop (xrf0)  }
0xd3: {  	v8 =	vadd.s32 v8, v7  }
0xd4: {  	v8 =	vadd.s32 $0xFFFFFFFF, v8  }
0xd5: {  	vm5 =	vgt.s32 v8, $0x0;
	vm6 =	vlt.s32 v8, $0x20  }
0xd6: {  	v8 =	vnsel vm5, $0x0, v8;
	vm7 =	vmand vm4, vm6  }
0xd7: {  	v8 =	vmin.u32 v8, $0x1F;
	_ =	sdelay $0x2  }
0xd8: {  	s7 =	sadd.s32 $0xFFFFFF50, s28  }
0xd9: {  	v59 =	vor.u32 s7, v2  }
0xda: {  	[tilespmem:v8+s11+$0x0] =	vst.idx.msk vm7, v59  }
0xdb: {  	v8 =	vld [tilespmem:s30+$0x6050]  }
0xdc: {  	v9 =	vld [tilespmem:s30+$0x8050];
	_ =	sdelay $0x1  }
0xdd: {  	v60 =	vld [tilespmem:s30+$0xA050];
	_ =	sdelay $0x2  }
0xde: {  	v8 =	vmul.f32 v4, v8;
	v9 =	vmul.f32 v5, v9  }
0xdf: {  	v61 =	vld [tilespmem:s30+$0xC050]  }
0xe0: {  	v62 =	vmul.f32 v6, v60;
	v8 =	vadd.f32 v9, v8;
	_ =	sdelay $0x1  }
0xe1: {  	v8 =	vadd.f32 v62, v8;
	_ =	sdelay $0x1  }
0xe2: {  	v63 =	vadd.f32 v61, v3;
	v8 =	vadd.f32 v8, v8;
	_ =	sdelay $0x1  }
0xe3: {  	v8 =	vsub.f32 v63, v8;
	_ =	sdelay $0x1  }
0xe4: {  	vm8 =	vlt.f32 v8, $3.999999910e-02  }
0xe5: {  	v8 =	vsel vm8, $0x1, v1  }
0xe6: {  	(xrf0) =	vadd.scan.msk.s32 $0xffff, v8;
	_ =	sdelay $0x1  }
0xe7: {  	v8 =	vmpcnt.ones.xlane vm4;
	_ =	sdelay $0x3  }
0xe8: {  	v7 =	vadd.s32 v7, v8;
	v8, _, _ =	vpop (xrf0)  }
0xe9: {  	v8 =	vadd.s32 v8, v7  }
0xea: {  	v8 =	vadd.s32 $0xFFFFFFFF, v8  }
0xeb: {  	vm9 =	vgt.s32 v8, $0x0;
	vm10 =	vlt.s32 v8, $0x20  }
0xec: {  	v8 =	vnsel vm9, $0x0, v8;
	vm11 =	vmand vm8, vm10  }
0xed: {  	v8 =	vmin.u32 v8, $0x1F;
	_ =	sdelay $0x2  }
0xee: {  	s13 =	sadd.s32 $0xFFFFFF60, s28  }
0xef: {  	v12 =	vor.u32 s13, v2  }
0xf0: {  	[tilespmem:v8+s11+$0x0] =	vst.idx.msk vm11, v12  }
0xf1: {  	v8 =	vld [tilespmem:s30+$0x6060]  }
0xf2: {  	v9 =	vld [tilespmem:s30+$0x8060];
	_ =	sdelay $0x1  }
0xf3: {  	v13 =	vld [tilespmem:s30+$0xA060];
	_ =	sdelay $0x2  }
0xf4: {  	v8 =	vmul.f32 v4, v8;
	v9 =	vmul.f32 v5, v9  }
0xf5: {  	v14 =	vld [tilespmem:s30+$0xC060]  }
0xf6: {  	v15 =	vmul.f32 v6, v13;
	v8 =	vadd.f32 v9, v8;
	_ =	sdelay $0x1  }
0xf7: {  	v8 =	vadd.f32 v15, v8;
	_ =	sdelay $0x1  }
0xf8: {  	v16 =	vadd.f32 v14, v3;
	v8 =	vadd.f32 v8, v8;
	_ =	sdelay $0x1  }
0xf9: {  	v8 =	vsub.f32 v16, v8;
	_ =	sdelay $0x1  }
0xfa: {  	vm12 =	vlt.f32 v8, $3.999999910e-02  }
0xfb: {  	v8 =	vsel vm12, $0x1, v1  }
0xfc: {  	(xrf0) =	vadd.scan.msk.s32 $0xffff, v8;
	_ =	sdelay $0x1  }
0xfd: {  	v8 =	vmpcnt.ones.xlane vm8;
	_ =	sdelay $0x3  }
0xfe: {  	v7 =	vadd.s32 v7, v8;
	v8, _, _ =	vpop (xrf0)  }
0xff: {  	v8 =	vadd.s32 v8, v7  }
0x100: {  	v8 =	vadd.s32 $0xFFFFFFFF, v8  }
0x101: {  	vm13 =	vgt.s32 v8, $0x0;
	vm14 =	vlt.s32 v8, $0x20  }
0x102: {  	v8 =	vnsel vm13, $0x0, v8;
	vm15 =	vmand vm12, vm14  }
0x103: {  	v8 =	vmin.u32 v8, $0x1F;
	_ =	sdelay $0x2  }
0x104: {  	s15 =	sadd.s32 $0xFFFFFF70, s28  }
0x105: {  	v17 =	vor.u32 s15, v2  }
0x106: {  	[tilespmem:v8+s11+$0x0] =	vst.idx.msk vm15, v17  }
0x107: {  	v8 =	vld [tilespmem:s30+$0x6070]  }
0x108: {  	v9 =	vld [tilespmem:s30+$0x8070];
	_ =	sdelay $0x1  }
0x109: {  	v18 =	vld [tilespmem:s30+$0xA070];
	_ =	sdelay $0x2  }
0x10a: {  	v8 =	vmul.f32 v4, v8;
	v9 =	vmul.f32 v5, v9  }
0x10b: {  	v19 =	vld [tilespmem:s30+$0xC070]  }
0x10c: {  	v20 =	vmul.f32 v6, v18;
	v8 =	vadd.f32 v9, v8;
	_ =	sdelay $0x1  }
0x10d: {  	v8 =	vadd.f32 v20, v8;
	_ =	sdelay $0x1  }
0x10e: {  	v21 =	vadd.f32 v19, v3;
	v8 =	vadd.f32 v8, v8;
	_ =	sdelay $0x1  }
0x10f: {  	v8 =	vsub.f32 v21, v8;
	_ =	sdelay $0x1  }
0x110: {  	vm4 =	vlt.f32 v8, $3.999999910e-02  }
0x111: {  	v8 =	vsel vm4, $0x1, v1  }
0x112: {  	(xrf0) =	vadd.scan.msk.s32 $0xffff, v8;
	_ =	sdelay $0x1  }
0x113: {  	v8 =	vmpcnt.ones.xlane vm12;
	_ =	sdelay $0x3  }
0x114: {  	v7 =	vadd.s32 v7, v8;
	v8, _, _ =	vpop (xrf0)  }
0x115: {  	v8 =	vadd.s32 v8, v7  }
0x116: {  	v8 =	vadd.s32 $0xFFFFFFFF, v8  }
0x117: {  	vm5 =	vgt.s32 v8, $0x0;
	vm6 =	vlt.s32 v8, $0x20  }
0x118: {  	v8 =	vnsel vm5, $0x0, v8;
	vm7 =	vmand vm4, vm6  }
0x119: {  	v8 =	vmin.u32 v8, $0x1F;
	_ =	sdelay $0x2  }
0x11a: {  	s31 =	sadd.s32 $0xFFFFFF80, s28  }
0x11b: {  	v22 =	vor.u32 s31, v2  }
0x11c: {  	[tilespmem:v8+s11+$0x0] =	vst.idx.msk vm7, v22  }
0x11d: {  	v8 =	vld [tilespmem:s30+$0x6080]  }
0x11e: {  	v9 =	vld [tilespmem:s30+$0x8080];
	_ =	sdelay $0x1  }
0x11f: {  	v23 =	vld [tilespmem:s30+$0xA080];
	_ =	sdelay $0x2  }
0x120: {  	v8 =	vmul.f32 v4, v8;
	v9 =	vmul.f32 v5, v9  }
0x121: {  	v24 =	vld [tilespmem:s30+$0xC080]  }
0x122: {  	v25 =	vmul.f32 v6, v23;
	v8 =	vadd.f32 v9, v8;
	_ =	sdelay $0x1  }
0x123: {  	v8 =	vadd.f32 v25, v8;
	_ =	sdelay $0x1  }
0x124: {  	v26 =	vadd.f32 v24, v3;
	v8 =	vadd.f32 v8, v8;
	_ =	sdelay $0x1  }
0x125: {  	v8 =	vsub.f32 v26, v8;
	_ =	sdelay $0x1  }
0x126: {  	vm8 =	vlt.f32 v8, $3.999999910e-02  }
0x127: {  	v8 =	vsel vm8, $0x1, v1  }
0x128: {  	(xrf0) =	vadd.scan.msk.s32 $0xffff, v8;
	_ =	sdelay $0x1  }
0x129: {  	v8 =	vmpcnt.ones.xlane vm4;
	_ =	sdelay $0x3  }
0x12a: {  	v7 =	vadd.s32 v7, v8;
	v8, _, _ =	vpop (xrf0)  }
0x12b: {  	v8 =	vadd.s32 v8, v7  }
0x12c: {  	v8 =	vadd.s32 $0xFFFFFFFF, v8  }
0x12d: {  	vm9 =	vgt.s32 v8, $0x0;
	vm10 =	vlt.s32 v8, $0x20  }
0x12e: {  	v8 =	vnsel vm9, $0x0, v8;
	vm11 =	vmand vm8, vm10  }
0x12f: {  	v8 =	vmin.u32 v8, $0x1F;
	_ =	sdelay $0x2  }
0x130: {  	s1 =	sadd.s32 $0xFFFFFF90, s28  }
0x131: {  	v27 =	vor.u32 s1, v2  }
0x132: {  	[tilespmem:v8+s11+$0x0] =	vst.idx.msk vm11, v27  }
0x133: {  	v8 =	vld [tilespmem:s30+$0x6090]  }
0x134: {  	v9 =	vld [tilespmem:s30+$0x8090];
	_ =	sdelay $0x1  }
0x135: {  	v28 =	vld [tilespmem:s30+$0xA090];
	_ =	sdelay $0x2  }
0x136: {  	v8 =	vmul.f32 v4, v8;
	v9 =	vmul.f32 v5, v9  }
0x137: {  	v29 =	vld [tilespmem:s30+$0xC090]  }
0x138: {  	v30 =	vmul.f32 v6, v28;
	v8 =	vadd.f32 v9, v8;
	_ =	sdelay $0x1  }
0x139: {  	v8 =	vadd.f32 v30, v8;
	_ =	sdelay $0x1  }
0x13a: {  	v31 =	vadd.f32 v29, v3;
	v8 =	vadd.f32 v8, v8;
	_ =	sdelay $0x1  }
0x13b: {  	v8 =	vsub.f32 v31, v8;
	_ =	sdelay $0x1  }
0x13c: {  	vm12 =	vlt.f32 v8, $3.999999910e-02  }
0x13d: {  	v8 =	vsel vm12, $0x1, v1  }
0x13e: {  	(xrf0) =	vadd.scan.msk.s32 $0xffff, v8;
	_ =	sdelay $0x1  }
0x13f: {  	v8 =	vmpcnt.ones.xlane vm8;
	_ =	sdelay $0x3  }
0x140: {  	v7 =	vadd.s32 v7, v8;
	v8, _, _ =	vpop (xrf0)  }
0x141: {  	v8 =	vadd.s32 v8, v7  }
0x142: {  	v8 =	vadd.s32 $0xFFFFFFFF, v8  }
0x143: {  	vm13 =	vgt.s32 v8, $0x0;
	vm14 =	vlt.s32 v8, $0x20  }
0x144: {  	v8 =	vnsel vm13, $0x0, v8;
	vm15 =	vmand vm12, vm14  }
0x145: {  	v8 =	vmin.u32 v8, $0x1F;
	_ =	sdelay $0x2  }
0x146: {  	s5 =	sadd.s32 $0xFFFFFFA0, s28  }
0x147: {  	v32 =	vor.u32 s5, v2  }
0x148: {  	[tilespmem:v8+s11+$0x0] =	vst.idx.msk vm15, v32  }
0x149: {  	v8 =	vld [tilespmem:s30+$0x60A0]  }
0x14a: {  	v9 =	vld [tilespmem:s30+$0x80A0];
	_ =	sdelay $0x1  }
0x14b: {  	v33 =	vld [tilespmem:s30+$0xA0A0];
	_ =	sdelay $0x2  }
0x14c: {  	v8 =	vmul.f32 v4, v8;
	v9 =	vmul.f32 v5, v9  }
0x14d: {  	v34 =	vld [tilespmem:s30+$0xC0A0]  }
0x14e: {  	v35 =	vmul.f32 v6, v33;
	v8 =	vadd.f32 v9, v8;
	_ =	sdelay $0x1  }
0x14f: {  	v8 =	vadd.f32 v35, v8;
	_ =	sdelay $0x1  }
0x150: {  	v36 =	vadd.f32 v34, v3;
	v8 =	vadd.f32 v8, v8;
	_ =	sdelay $0x1  }
0x151: {  	v8 =	vsub.f32 v36, v8;
	_ =	sdelay $0x1  }
0x152: {  	vm4 =	vlt.f32 v8, $3.999999910e-02  }
0x153: {  	v8 =	vsel vm4, $0x1, v1  }
0x154: {  	(xrf0) =	vadd.scan.msk.s32 $0xffff, v8;
	_ =	sdelay $0x1  }
0x155: {  	v8 =	vmpcnt.ones.xlane vm12;
	_ =	sdelay $0x3  }
0x156: {  	v7 =	vadd.s32 v7, v8;
	v8, _, _ =	vpop (xrf0)  }
0x157: {  	v8 =	vadd.s32 v8, v7  }
0x158: {  	v8 =	vadd.s32 $0xFFFFFFFF, v8  }
0x159: {  	vm5 =	vgt.s32 v8, $0x0;
	vm6 =	vlt.s32 v8, $0x20  }
0x15a: {  	v8 =	vnsel vm5, $0x0, v8;
	vm7 =	vmand vm4, vm6  }
0x15b: {  	v8 =	vmin.u32 v8, $0x1F;
	_ =	sdelay $0x2  }
0x15c: {  	s6 =	sadd.s32 $0xFFFFFFB0, s28  }
0x15d: {  	v37 =	vor.u32 s6, v2  }
0x15e: {  	[tilespmem:v8+s11+$0x0] =	vst.idx.msk vm7, v37  }
0x15f: {  	v8 =	vld [tilespmem:s30+$0x60B0]  }
0x160: {  	v9 =	vld [tilespmem:s30+$0x80B0];
	_ =	sdelay $0x1  }
0x161: {  	v38 =	vld [tilespmem:s30+$0xA0B0];
	_ =	sdelay $0x2  }
0x162: {  	v8 =	vmul.f32 v4, v8;
	v9 =	vmul.f32 v5, v9  }
0x163: {  	v39 =	vld [tilespmem:s30+$0xC0B0]  }
0x164: {  	v40 =	vmul.f32 v6, v38;
	v8 =	vadd.f32 v9, v8;
	_ =	sdelay $0x1  }
0x165: {  	v8 =	vadd.f32 v40, v8;
	_ =	sdelay $0x1  }
0x166: {  	v41 =	vadd.f32 v39, v3;
	v8 =	vadd.f32 v8, v8;
	_ =	sdelay $0x1  }
0x167: {  	v8 =	vsub.f32 v41, v8;
	_ =	sdelay $0x1  }
0x168: {  	vm8 =	vlt.f32 v8, $3.999999910e-02  }
0x169: {  	v8 =	vsel vm8, $0x1, v1  }
0x16a: {  	(xrf0) =	vadd.scan.msk.s32 $0xffff, v8;
	_ =	sdelay $0x1  }
0x16b: {  	v8 =	vmpcnt.ones.xlane vm4;
	_ =	sdelay $0x3  }
0x16c: {  	v7 =	vadd.s32 v7, v8;
	v8, _, _ =	vpop (xrf0)  }
0x16d: {  	v8 =	vadd.s32 v8, v7  }
0x16e: {  	v8 =	vadd.s32 $0xFFFFFFFF, v8  }
0x16f: {  	vm9 =	vgt.s32 v8, $0x0;
	vm10 =	vlt.s32 v8, $0x20  }
0x170: {  	v8 =	vnsel vm9, $0x0, v8;
	vm11 =	vmand vm8, vm10  }
0x171: {  	v8 =	vmin.u32 v8, $0x1F;
	_ =	sdelay $0x2  }
0x172: {  	s7 =	sadd.s32 $0xFFFFFFC0, s28  }
0x173: {  	v42 =	vor.u32 s7, v2  }
0x174: {  	[tilespmem:v8+s11+$0x0] =	vst.idx.msk vm11, v42  }
0x175: {  	v8 =	vld [tilespmem:s30+$0x60C0]  }
0x176: {  	v9 =	vld [tilespmem:s30+$0x80C0];
	_ =	sdelay $0x1  }
0x177: {  	v43 =	vld [tilespmem:s30+$0xA0C0];
	_ =	sdelay $0x2  }
0x178: {  	v8 =	vmul.f32 v4, v8;
	v9 =	vmul.f32 v5, v9  }
0x179: {  	v44 =	vld [tilespmem:s30+$0xC0C0]  }
0x17a: {  	v45 =	vmul.f32 v6, v43;
	v8 =	vadd.f32 v9, v8;
	_ =	sdelay $0x1  }
0x17b: {  	v8 =	vadd.f32 v45, v8;
	_ =	sdelay $0x1  }
0x17c: {  	v46 =	vadd.f32 v44, v3;
	v8 =	vadd.f32 v8, v8;
	_ =	sdelay $0x1  }
0x17d: {  	v8 =	vsub.f32 v46, v8;
	_ =	sdelay $0x1  }
0x17e: {  	vm12 =	vlt.f32 v8, $3.999999910e-02  }
0x17f: {  	v8 =	vsel vm12, $0x1, v1  }
0x180: {  	(xrf0) =	vadd.scan.msk.s32 $0xffff, v8;
	_ =	sdelay $0x1  }
0x181: {  	v8 =	vmpcnt.ones.xlane vm8;
	_ =	sdelay $0x3  }
0x182: {  	v7 =	vadd.s32 v7, v8;
	v8, _, _ =	vpop (xrf0)  }
0x183: {  	v8 =	vadd.s32 v8, v7  }
0x184: {  	v8 =	vadd.s32 $0xFFFFFFFF, v8  }
0x185: {  	vm13 =	vgt.s32 v8, $0x0;
	vm14 =	vlt.s32 v8, $0x20  }
0x186: {  	v8 =	vnsel vm13, $0x0, v8;
	vm15 =	vmand vm12, vm14  }
0x187: {  	v8 =	vmin.u32 v8, $0x1F;
	_ =	sdelay $0x2  }
0x188: {  	s13 =	sadd.s32 $0xFFFFFFD0, s28  }
0x189: {  	v47 =	vor.u32 s13, v2  }
0x18a: {  	[tilespmem:v8+s11+$0x0] =	vst.idx.msk vm15, v47  }
0x18b: {  	v8 =	vld [tilespmem:s30+$0x60D0]  }
0x18c: {  	v9 =	vld [tilespmem:s30+$0x80D0];
	_ =	sdelay $0x1  }
0x18d: {  	v48 =	vld [tilespmem:s30+$0xA0D0];
	_ =	sdelay $0x2  }
0x18e: {  	v8 =	vmul.f32 v4, v8;
	v9 =	vmul.f32 v5, v9  }
0x18f: {  	v49 =	vld [tilespmem:s30+$0xC0D0]  }
0x190: {  	v50 =	vmul.f32 v6, v48;
	v8 =	vadd.f32 v9, v8;
	_ =	sdelay $0x1  }
0x191: {  	v8 =	vadd.f32 v50, v8;
	_ =	sdelay $0x1  }
0x192: {  	v51 =	vadd.f32 v49, v3;
	v8 =	vadd.f32 v8, v8;
	_ =	sdelay $0x1  }
0x193: {  	v8 =	vsub.f32 v51, v8;
	_ =	sdelay $0x1  }
0x194: {  	vm4 =	vlt.f32 v8, $3.999999910e-02  }
0x195: {  	v8 =	vsel vm4, $0x1, v1  }
0x196: {  	(xrf0) =	vadd.scan.msk.s32 $0xffff, v8;
	_ =	sdelay $0x1  }
0x197: {  	v8 =	vmpcnt.ones.xlane vm12;
	_ =	sdelay $0x3  }
0x198: {  	v7 =	vadd.s32 v7, v8;
	v8, _, _ =	vpop (xrf0)  }
0x199: {  	v8 =	vadd.s32 v8, v7  }
0x19a: {  	v8 =	vadd.s32 $0xFFFFFFFF, v8  }
0x19b: {  	vm5 =	vgt.s32 v8, $0x0;
	vm6 =	vlt.s32 v8, $0x20  }
0x19c: {  	v8 =	vnsel vm5, $0x0, v8;
	vm7 =	vmand vm4, vm6  }
0x19d: {  	v8 =	vmin.u32 v8, $0x1F;
	_ =	sdelay $0x2  }
0x19e: {  	s15 =	sadd.s32 $0xFFFFFFE0, s28  }
0x19f: {  	v52 =	vor.u32 s15, v2  }
0x1a0: {  	[tilespmem:v8+s11+$0x0] =	vst.idx.msk vm7, v52  }
0x1a1: {  	v8 =	vld [tilespmem:s30+$0x60E0]  }
0x1a2: {  	v9 =	vld [tilespmem:s30+$0x80E0];
	_ =	sdelay $0x1  }
0x1a3: {  	v53 =	vld [tilespmem:s30+$0xA0E0];
	_ =	sdelay $0x2  }
0x1a4: {  	v8 =	vmul.f32 v4, v8;
	v9 =	vmul.f32 v5, v9  }
0x1a5: {  	v54 =	vld [tilespmem:s30+$0xC0E0]  }
0x1a6: {  	v55 =	vmul.f32 v6, v53;
	v8 =	vadd.f32 v9, v8;
	_ =	sdelay $0x1  }
0x1a7: {  	v8 =	vadd.f32 v55, v8;
	_ =	sdelay $0x1  }
0x1a8: {  	v56 =	vadd.f32 v54, v3;
	v8 =	vadd.f32 v8, v8;
	_ =	sdelay $0x1  }
0x1a9: {  	v8 =	vsub.f32 v56, v8;
	_ =	sdelay $0x1  }
0x1aa: {  	vm8 =	vlt.f32 v8, $3.999999910e-02  }
0x1ab: {  	v8 =	vsel vm8, $0x1, v1  }
0x1ac: {  	(xrf0) =	vadd.scan.msk.s32 $0xffff, v8;
	_ =	sdelay $0x1  }
0x1ad: {  	v8 =	vmpcnt.ones.xlane vm4;
	_ =	sdelay $0x3  }
0x1ae: {  	v7 =	vadd.s32 v7, v8;
	v8, _, _ =	vpop (xrf0)  }
0x1af: {  	v8 =	vadd.s32 v8, v7  }
0x1b0: {  	v8 =	vadd.s32 $0xFFFFFFFF, v8  }
0x1b1: {  	vm9 =	vgt.s32 v8, $0x0;
	vm10 =	vlt.s32 v8, $0x20  }
0x1b2: {  	v8 =	vnsel vm9, $0x0, v8;
	vm11 =	vmand vm8, vm10  }
0x1b3: {  	v8 =	vmin.u32 v8, $0x1F;
	_ =	sdelay $0x2  }
0x1b4: {  	s31 =	sadd.s32 $0xFFFFFFF0, s28  }
0x1b5: {  	v57 =	vor.u32 s31, v2  }
0x1b6: {  	[tilespmem:v8+s11+$0x0] =	vst.idx.msk vm11, v57  }
0x1b7: {  	v8 =	vld [tilespmem:s30+$0x60F0]  }
0x1b8: {  	v9 =	vld [tilespmem:s30+$0x80F0];
	_ =	sdelay $0x1  }
0x1b9: {  	v58 =	vld [tilespmem:s30+$0xA0F0];
	_ =	sdelay $0x2  }
0x1ba: {  	v8 =	vmul.f32 v4, v8;
	v9 =	vmul.f32 v5, v9  }
0x1bb: {  	v59 =	vld [tilespmem:s30+$0xC0F0]  }
0x1bc: {  	v60 =	vmul.f32 v6, v58;
	v8 =	vadd.f32 v9, v8;
	_ =	sdelay $0x1  }
0x1bd: {  	v8 =	vadd.f32 v60, v8;
	_ =	sdelay $0x1  }
0x1be: {  	v61 =	vadd.f32 v59, v3;
	v8 =	vadd.f32 v8, v8;
	_ =	sdelay $0x1  }
0x1bf: {  	v8 =	vsub.f32 v61, v8;
	_ =	sdelay $0x1  }
0x1c0: {  	vm12 =	vlt.f32 v8, $3.999999910e-02  }
0x1c1: {  	v8 =	vsel vm12, $0x1, v1  }
0x1c2: {  	(xrf0) =	vadd.scan.msk.s32 $0xffff, v8;
	_ =	sdelay $0x1  }
0x1c3: {  	v8 =	vmpcnt.ones.xlane vm8;
	_ =	sdelay $0x3  }
0x1c4: {  	v7 =	vadd.s32 v7, v8;
	v8, _, _ =	vpop (xrf0)  }
0x1c5: {  	v8 =	vadd.s32 v8, v7  }
0x1c6: {  	v8 =	vadd.s32 $0xFFFFFFFF, v8  }
0x1c7: {  	vm13 =	vgt.s32 v8, $0x0;
	vm14 =	vlt.s32 v8, $0x20  }
0x1c8: {  	v8 =	vnsel vm13, $0x0, v8;
	vm15 =	vmand vm12, vm14  }
0x1c9: {  	v8 =	vmin.u32 v8, $0x1F  }
.Ltmp6:
0x1ca: {  	_ = 	snop;
	(pc) =	sbr.rel .LBB2_7-.Ltmp6, $4  }
0x1cb: {  	_ = 	snop  }
0x1cc: {  	v62 =	vmpcnt.ones.xlane vm12  }
0x1cd: {  	v63 =	vor.u32 s28, v2  }
0x1ce: {  	v7 =	vadd.s32 v7, v62;
	[tilespmem:v8+s11+$0x0] =	vst.idx.msk vm15, v63  }
.LBB2_9:
0x1cf: {  	s0 =	simm.s32 $0xF880;
	p0 =	por $0x1, $0x1  }
0x1d0: {  	[tilespmem:s14], [sflag:$0x1] =	stream.indirect.gather [hbm4b:s2+s12], $0x80, s0, s12, $0xb8;
	[tilespmem:$0x19880] =	vst v63  }
0x1d1: {  	s6 =	simm.s32 $0xF8C0;
	s0 =	simm.s32 @!p0 $0x7  }
0x1d2: {  	[tilespmem:s16], [sflag:$0x2] =	stream.indirect.gather [hbm4b:s2+s12], $0x80, s6, s12, $0xb8;
	[tilespmem:$0x19880] =	vst v63  }
0x1d3: {  	_ =	swait.ge @!p0 [sflag:s0], $0x2000  }
0x1d4: {  	[sflag:s0] =	ssyncset.done @!p0 $0x0  }
0x1d5: {  	s7 =	simm.s32 $0xF900;
	s26 =	rddreg [dreg:$0x3];
	[sflag:s0] =	ssyncadd.s32 @!p0 $0xFFFFE000  }
0x1d6: {  	[tilespmem:s26], [sflag:$0x3] =	stream.indirect.gather [hbm4b:s2+s12], $0x80, s7, s12, $0xb8;
	[tilespmem:$0x19880] =	vst v63  }
0x1d7: {  	_ =	swait.ge [sflag:s17], $0x2000  }
0x1d8: {  	[sflag:s17] =	ssyncset.done $0x0  }
0x1d9: {  	s0 =	simm.s32 @!p0 $0x8;
	[sflag:s17] =	ssyncadd.s32 $0xFFFFE000  }
0x1da: {  	[hbm4b:s8+s3] =	stream.linear.scatter [tilespmem:s14], [sflag:$0x5], $0x2000, $0x38;
	[tilespmem:$0x19880] =	vst v63  }
0x1db: {  	_ =	swait.ge @!p0 [sflag:s0], $0x2000  }
0x1dc: {  	[sflag:s0] =	ssyncset.done @!p0 $0x0  }
0x1dd: {  	s13 =	simm.s32 $0xF940;
	[sflag:s0] =	ssyncadd.s32 @!p0 $0xFFFFE000  }
0x1de: {  	[tilespmem:s18], [sflag:$0x4] =	stream.indirect.gather [hbm4b:s2+s12], $0x80, s13, s12, $0xb8;
	[tilespmem:$0x19880] =	vst v63  }
0x1df: {  	_ =	swait.ge [sflag:s19], $0x2000  }
0x1e0: {  	p0 =	por $0x0, $0x0;
	[sflag:s19] =	ssyncset.done $0x0  }
0x1e1: {  	s15 =	sadd.s32 $0x400, s8;
	s26 =	simm.s32 @p0 $0x3;
	[sflag:s19] =	ssyncadd.s32 $0xFFFFE000  }
0x1e2: {  	[hbm4b:s15+s3] =	stream.linear.scatter [tilespmem:s16], [sflag:$0x6], $0x2000, $0x38;
	[tilespmem:$0x19880] =	vst v63  }
0x1e3: {  	_ =	swait.ge @p0 [sflag:s26], $0x2000  }
0x1e4: {  	s28 =	simm.s32 @p0 $0x15880;
	s29 =	simm.s32 @!p0 $0x5;
	[sflag:s26] =	ssyncset.done @p0 $0x0  }
0x1e5: {  	s0 =	rddreg [dreg:$0x4];
	[sflag:s26] =	ssyncadd.s32 @p0 $0xFFFFE000;
	s26 =	simm.s32 @p0 $0x0  }
0x1e6: {  	[hbm4b:s0+s26] =	stream.linear.scatter @p0 [tilespmem:s28], [sflag:$0x7], $0x2000, $0x38;
	[tilespmem:$0x19880] =	vst v63  }
0x1e7: {  	_ =	swait.ge @!p0 [sflag:s29], $0x2000  }
0x1e8: {  	s0 =	simm.s32 @!p0 $0xF980;
	s26 =	simm.s32 @!p0 $0x40;
	[sflag:s29] =	ssyncset.done @!p0 $0x0  }
0x1e9: {  	s28 =	simm.s32 @!p0 $0x11880;
	[sflag:s29] =	ssyncadd.s32 @!p0 $0xFFFFE000;
	s29 =	simm.s32 @!p0 $0x3  }
0x1ea: {  	[tilespmem:s28], [sflag:$0x1] =	stream.indirect.gather @!p0 [hbm4b:s2+s26], $0x80, s0, s26, $0xb8;
	[tilespmem:$0x19880] =	vst v63  }
0x1eb: {  	_ =	swait.ge @!p0 [sflag:s29], $0x2000  }
0x1ec: {  	s30 =	simm.s32 @!p0 $0x0;
	s31 =	simm.s32 @!p0 $0x6;
	[sflag:s29] =	ssyncset.done @!p0 $0x0  }
0x1ed: {  	s0 =	simm.s32 @!p0 $0x15880;
	s28 =	sadd.s32 @!p0 $0x800, s8;
	[sflag:s29] =	ssyncadd.s32 @!p0 $0xFFFFE000  }
0x1ee: {  	[hbm4b:s28+s30] =	stream.linear.scatter @!p0 [tilespmem:s0], [sflag:$0x7], $0x2000, $0x38;
	[tilespmem:$0x19880] =	vst v63  }
0x1ef: {  	_ =	swait.ge @!p0 [sflag:s31], $0x2000  }
0x1f0: {  	p1 =	por $0x0, $0x0;
	s29 =	simm.s32 $0x400;
	[sflag:s31] =	ssyncset.done @!p0 $0x0  }
0x1f1: {  	s0 =	simm.s32 @!p0 $0xF9C0;
	s30 =	simm.s32 @!p0 $0x13880;
	[sflag:s31] =	ssyncadd.s32 @!p0 $0xFFFFE000  }
0x1f2: {  	[tilespmem:s30], [sflag:$0x2] =	stream.indirect.gather @!p0 [hbm4b:s2+s26], $0x80, s0, s26, $0xb8;
	[tilespmem:$0x19880] =	vst v63  }
0x1f3: {  	s28 =	sadd.s32 $0x1000, s8;
	s31 =	simm.s32 $0x800;
	s30 =	sadd.s32 $0xC00, s8  }
0x1f4: {  	s26 =	sadd.s32 $0xC00, s28;
	s0 =	sadd.s32 $0x1000, s28;
	_ =	swait.ge [sflag:s20], $0x2000  }
.LBB2_10:
0x1f5: {  	[sflag:s20] =	ssyncset.done $0x0  }
0x1f6: {  	s1 =	simm.s32 @!p1 $0x7;
	[sflag:s20] =	ssyncadd.s32 $0xFFFFE000  }
0x1f7: {  	[hbm4b:s30+s3] =	stream.linear.scatter [tilespmem:s18], [sflag:$0x8], $0x2000, $0x38;
	[tilespmem:$0x19880] =	vst v63  }
0x1f8: {  	_ =	swait.ge @!p1 [sflag:s1], $0x2000  }
0x1f9: {  	s6 =	sshra.s32 s29, $0x2;
	[sflag:s1] =	ssyncset.done @!p1 $0x0  }
0x1fa: {  	s7 =	sadd.s32 $0xF900, s6;
	s5 =	rddreg [dreg:$0x3];
	[sflag:s1] =	ssyncadd.s32 @!p1 $0xFFFFE000  }
0x1fb: {  	[tilespmem:s5], [sflag:$0x3] =	stream.indirect.gather [hbm4b:s2+s12], $0x80, s7, s12, $0xb8;
	[tilespmem:$0x19880] =	vst v63  }
0x1fc: {  	_ =	swait.ge [sflag:s17], $0x2000  }
0x1fd: {  	[sflag:s17] =	ssyncset.done $0x0  }
0x1fe: {  	s1 =	simm.s32 @!p1 $0x8;
	[sflag:s17] =	ssyncadd.s32 $0xFFFFE000  }
0x1ff: {  	[hbm4b:s28+s3] =	stream.linear.scatter [tilespmem:s14], [sflag:$0x5], $0x2000, $0x38;
	[tilespmem:$0x19880] =	vst v63  }
0x200: {  	_ =	swait.ge @!p1 [sflag:s1], $0x2000  }
0x201: {  	[sflag:s1] =	ssyncset.done @!p1 $0x0  }
0x202: {  	s13 =	smov.u32 s31;
	s6 =	sadd.s32 $0xF940, s6;
	[sflag:s1] =	ssyncadd.s32 @!p1 $0xFFFFE000  }
0x203: {  	[tilespmem:s18], [sflag:$0x4] =	stream.indirect.gather [hbm4b:s2+s12], $0x80, s6, s12, $0xb8;
	[tilespmem:$0x19880] =	vst v63  }
0x204: {  	s15 =	sadd.s32 $0xC00, s0;
	s30 =	smov.u32 s26;
	_ =	swait.ge [sflag:s19], $0x2000  }
0x205: {  	s26 =	smov.u32 s15;
	p1 =	seq.s32 s29, $0x7C00;
	[sflag:s19] =	ssyncset.done $0x0  }
0x206: {  	s7 =	sadd.s32 $0x400, s28;
	s5 =	simm.s32 @p1 $0x3;
	[sflag:s19] =	ssyncadd.s32 $0xFFFFE000  }
0x207: {  	[hbm4b:s7+s3] =	stream.linear.scatter [tilespmem:s16], [sflag:$0x6], $0x2000, $0x38;
	[tilespmem:$0x19880] =	vst v63  }
0x208: {  	s15 =	sshra.s32 @!p1 s29, $0x2;
	s29 =	smov.u32 s13;
	_ =	swait.ge @p1 [sflag:s5], $0x2000  }
0x209: {  	s13 =	simm.s32 @p1 $0x15880;
	s7 =	simm.s32 @!p1 $0x5;
	[sflag:s5] =	ssyncset.done @p1 $0x0  }
0x20a: {  	s6 =	rddreg [dreg:$0x4];
	[sflag:s5] =	ssyncadd.s32 @p1 $0xFFFFE000;
	s5 =	simm.s32 @p1 $0x0  }
0x20b: {  	[hbm4b:s6+s5] =	stream.linear.scatter @p1 [tilespmem:s13], [sflag:$0x7], $0x2000, $0x38;
	[tilespmem:$0x19880] =	vst v63  }
0x20c: {  	s31 =	sadd.s32 $0x400, s31;
	_ =	swait.ge @!p1 [sflag:s7], $0x2000  }
0x20d: {  	s1 =	sadd.s32 @!p1 $0xF980, s15;
	s5 =	simm.s32 @!p1 $0x40;
	[sflag:s7] =	ssyncset.done @!p1 $0x0  }
0x20e: {  	s6 =	simm.s32 @!p1 $0x11880;
	[sflag:s7] =	ssyncadd.s32 @!p1 $0xFFFFE000;
	s7 =	simm.s32 @!p1 $0x3  }
0x20f: {  	[tilespmem:s6], [sflag:$0x1] =	stream.indirect.gather @!p1 [hbm4b:s2+s5], $0x80, s1, s5, $0xb8;
	[tilespmem:$0x19880] =	vst v63  }
0x210: {  	p0 =	sne.s32 s31, $0x8000;
	_ =	swait.ge @!p1 [sflag:s7], $0x2000  }
0x211: {  	s13 =	simm.s32 @!p1 $0x0;
	s1 =	simm.s32 @!p1 $0x15880;
	[sflag:s7] =	ssyncset.done @!p1 $0x0  }
0x212: {  	s6 =	sadd.s32 @!p1 $0x800, s28;
	[sflag:s7] =	ssyncadd.s32 @!p1 $0xFFFFE000;
	s7 =	simm.s32 @!p1 $0x6  }
0x213: {  	[hbm4b:s6+s13] =	stream.linear.scatter @!p1 [tilespmem:s1], [sflag:$0x7], $0x2000, $0x38;
	[tilespmem:$0x19880] =	vst v63  }
.Ltmp7:
0x214: {  	_ =	swait.ge @!p1 [sflag:s7], $0x2000;
	(pc) =	sbr.rel @p0 .LBB2_10-.Ltmp7, $4  }
0x215: {  	s15 =	sadd.s32 @!p1 $0xF9C0, s15;
	[sflag:s7] =	ssyncset.done @!p1 $0x0  }
0x216: {  	s28 =	smov.u32 s0;
	s1 =	simm.s32 @!p1 $0x13880;
	[sflag:s7] =	ssyncadd.s32 @!p1 $0xFFFFE000  }
0x217: {  	[tilespmem:s1], [sflag:$0x2] =	stream.indirect.gather @!p1 [hbm4b:s2+s5], $0x80, s15, s5, $0xb8;
	[tilespmem:$0x19880] =	vst v63  }
0x218: {  	s0 =	sadd.s32 $0x1000, s0;
	p1 =	seq.s32 s29, $0x0;
	_ =	swait.ge [sflag:s20], $0x2000  }
0x219: {  	[sflag:s20] =	ssyncset.done $0x0  }
0x21a: {  	s0 =	simm.s32 @!p1 $0x7;
	[sflag:s20] =	ssyncadd.s32 $0xFFFFE000  }
0x21b: {  	[hbm4b:s30+s3] =	stream.linear.scatter [tilespmem:s18], [sflag:$0x8], $0x2000, $0x38;
	[tilespmem:$0x19880] =	vst v63  }
0x21c: {  	_ =	swait.ge @!p1 [sflag:s0], $0x2000  }
0x21d: {  	s5 =	sshra.s32 s29, $0x2;
	[sflag:s0] =	ssyncset.done @!p1 $0x0  }
0x21e: {  	s13 =	sadd.s32 $0xF900, s5;
	s1 =	rddreg [dreg:$0x3];
	[sflag:s0] =	ssyncadd.s32 @!p1 $0xFFFFE000  }
0x21f: {  	[tilespmem:s1], [sflag:$0x3] =	stream.indirect.gather [hbm4b:s2+s12], $0x80, s13, s12, $0xb8;
	[tilespmem:$0x19880] =	vst v63  }
0x220: {  	_ =	swait.ge [sflag:s17], $0x2000  }
0x221: {  	[sflag:s17] =	ssyncset.done $0x0  }
0x222: {  	s0 =	simm.s32 @!p1 $0x8;
	[sflag:s17] =	ssyncadd.s32 $0xFFFFE000  }
0x223: {  	[hbm4b:s28+s3] =	stream.linear.scatter [tilespmem:s14], [sflag:$0x5], $0x2000, $0x38;
	[tilespmem:$0x19880] =	vst v63  }
0x224: {  	_ =	swait.ge @!p1 [sflag:s0], $0x2000  }
0x225: {  	[sflag:s0] =	ssyncset.done @!p1 $0x0  }
0x226: {  	s15 =	sadd.s32 $0xF940, s5;
	[sflag:s0] =	ssyncadd.s32 @!p1 $0xFFFFE000  }
0x227: {  	[tilespmem:s18], [sflag:$0x4] =	stream.indirect.gather [hbm4b:s2+s12], $0x80, s15, s12, $0xb8;
	[tilespmem:$0x19880] =	vst v63  }
0x228: {  	_ =	swait.ge [sflag:s19], $0x2000  }
0x229: {  	p0 =	seq.s32 s29, $0x7C00;
	[sflag:s19] =	ssyncset.done $0x0  }
0x22a: {  	s30 =	sadd.s32 $0x400, s28;
	s1 =	simm.s32 @p0 $0x3;
	[sflag:s19] =	ssyncadd.s32 $0xFFFFE000  }
0x22b: {  	[hbm4b:s30+s3] =	stream.linear.scatter [tilespmem:s16], [sflag:$0x6], $0x2000, $0x38;
	[tilespmem:$0x19880] =	vst v63  }
0x22c: {  	_ =	swait.ge @p0 [sflag:s1], $0x2000  }
0x22d: {  	s5 =	simm.s32 @p0 $0x15880;
	s6 =	simm.s32 @!p0 $0x5;
	[sflag:s1] =	ssyncset.done @p0 $0x0  }
0x22e: {  	s0 =	rddreg [dreg:$0x4];
	[sflag:s1] =	ssyncadd.s32 @p0 $0xFFFFE000;
	s1 =	simm.s32 @p0 $0x0  }
0x22f: {  	[hbm4b:s0+s1] =	stream.linear.scatter @p0 [tilespmem:s5], [sflag:$0x7], $0x2000, $0x38;
	[tilespmem:$0x19880] =	vst v63  }
0x230: {  	s7 =	simm.s32 @!p0 $0x11880;
	_ =	swait.ge @!p0 [sflag:s6], $0x2000  }
0x231: {  	s0 =	sshra.s32 @!p0 s29, $0x2;
	s5 =	simm.s32 @!p0 $0x40;
	[sflag:s6] =	ssyncset.done @!p0 $0x0  }
0x232: {  	s1 =	sadd.s32 @!p0 $0xF980, s0;
	[sflag:s6] =	ssyncadd.s32 @!p0 $0xFFFFE000;
	s6 =	simm.s32 @!p0 $0x3  }
0x233: {  	[tilespmem:s7], [sflag:$0x1] =	stream.indirect.gather @!p0 [hbm4b:s2+s5], $0x80, s1, s5, $0xb8;
	[tilespmem:$0x19880] =	vst v63  }
0x234: {  	_ =	swait.ge @!p0 [sflag:s6], $0x2000  }
0x235: {  	s13 =	simm.s32 @!p0 $0x0;
	s1 =	simm.s32 @!p0 $0x15880;
	[sflag:s6] =	ssyncset.done @!p0 $0x0  }
0x236: {  	s7 =	sadd.s32 @!p0 $0x800, s28;
	[sflag:s6] =	ssyncadd.s32 @!p0 $0xFFFFE000;
	s6 =	simm.s32 @!p0 $0x6  }
0x237: {  	[hbm4b:s7+s13] =	stream.linear.scatter @!p0 [tilespmem:s1], [sflag:$0x7], $0x2000, $0x38;
	[tilespmem:$0x19880] =	vst v63  }
0x238: {  	_ =	swait.ge @!p0 [sflag:s6], $0x2000  }
0x239: {  	[sflag:s6] =	ssyncset.done @!p0 $0x0  }
0x23a: {  	s0 =	sadd.s32 @!p0 $0xF9C0, s0;
	s1 =	simm.s32 @!p0 $0x13880;
	[sflag:s6] =	ssyncadd.s32 @!p0 $0xFFFFE000  }
0x23b: {  	[tilespmem:s1], [sflag:$0x2] =	stream.indirect.gather @!p0 [hbm4b:s2+s5], $0x80, s0, s5, $0xb8;
	[tilespmem:$0x19880] =	vst v63  }
0x23c: {  	_ =	swait.ge [sflag:s20], $0x2000  }
0x23d: {  	[sflag:s20] =	ssyncset.done $0x0  }
0x23e: {  	[sflag:s20] =	ssyncadd.s32 $0xFFFFE000  }
0x23f: {  	[hbm4b:s26+s3] =	stream.linear.scatter [tilespmem:s18], [sflag:$0x8], $0x2000, $0x38;
	[tilespmem:$0x19880] =	vst v63  }
0x240: {  	_ =	swait.ge [sflag:s21], $0x2000  }
0x241: {  	[sflag:s21] =	ssyncset.done $0x0  }
0x242: {  	[sflag:s21] =	ssyncadd.s32 $0xFFFFE000  }
0x243: {  	_ =	swait.ge [sflag:s22], $0x2000  }
0x244: {  	[sflag:s22] =	ssyncset.done $0x0  }
0x245: {  	[sflag:s22] =	ssyncadd.s32 $0xFFFFE000  }
0x246: {  	_ =	swait.ge [sflag:s23], $0x2000  }
0x247: {  	[sflag:s23] =	ssyncset.done $0x0  }
0x248: {  	[sflag:s23] =	ssyncadd.s32 $0xFFFFE000  }
0x249: {  	_ =	swait.ge [sflag:s24], $0x2000  }
0x24a: {  	s25 =	sadd.s32 $0x1, s25;
	s31 =	rddreg [dreg:$0x7]  }
0x24b: {  	p0 =	sne.s32 s25, s31  }
.Ltmp8:
0x24c: {  	_ = 	snop;
	(pc) =	sbr.rel @p0 .LBB2_1-.Ltmp8, $3  }
0x24d: {  	_ =	sdelay $0x1  }
0x24e: {  	[sflag:s24] =	ssyncset.done $0x0  }
0x24f: {  	[sflag:s24] =	ssyncadd.s32 $0xFFFFE000  }
0x250: {  	_ =	sfence.sel $0x180000  }
0x251: {  	[bflag:$0x0] =	sbarrier.arrive $0xFFFF  }
0x252: {  	_ =	strace $0x90000047  }
0x253: {  	s0 =	stileid.u32;
	[bflag:$0x2] =	sbarrier.arrive $0xFFFF  }
0x254: {  	p0 =	sne.s32 s0, $0x0;
	s0 =	rddreg [dreg:$0x2]  }
0x255: {  	s0 =	sadd.s32 @!p0 $0x100000, s0  }
0x256: {  	[sflag:s0] =	ssyncadd.tile.s32 @!p0 $0x1;
	_ =	shalt  }
.Lfunc_end2:
_tile_overlayer_lowered:
.L_overlay_start_2:
0x257: {  	(tag) =	ssettag $0x2  }
0x258: {  	s0 =	rddreg [dreg:$0x0];
	s2 =	stileid.u32  }
0x259: {  	s1 =	rddreg [dreg:$0x1];
	p0 =	sne.s32 s2, $0x0  }
0x25a: {  	s3 =	rddreg [dreg:$0x2];
	[bflag:$0x3] =	sbarrier.arrive $0xFFFF;
	s2 =	simm.s32 @!p0 $0x1C09  }
0x25b: {  	[timem:s3], [sflag:s2] =	dma.local @!p0 [hbm:s0], s1  }
0x25c: {  	s0 =	simm.s32 @!p0 $0x9  }
0x25d: {  	_ =	swait.ge @!p0 [sflag:s0], s1  }
0x25e: {  	s1 =	ssub.s32 @!p0 $0x0, s1;
	[sflag:s0] =	ssyncset.done @!p0 $0x0  }
0x25f: {  	[sflag:s0] =	ssyncadd.s32 @!p0 s1  }
0x260: {  	[bflag:$0x3] =	sbarrier.arrive $0xFFFF  }
0x261: {  	_ =	shalt  }

</sc_bundles>
